<compile_context>
chip_gen: v7x
topology: tpu7x:2x2x1
jax: 0.10.2.dev20260603
libtpu: 0.0.44.dev20260713+nightly
codegen_flags: <defaults>
</compile_context>

<pallas_src>
import jax
import jax.numpy as jnp
from jax import lax
from jax.experimental import pallas as pl
from jax.experimental.pallas import tpu as pltpu
from jax.experimental.pallas import tpu_sc as plsc

B, S, E = 4, 8192, 128
NW = 32
SW = S // NW
CHUNK = 128
HB = SW // CHUNK
NCH = B * HB
NBUF = 5
LANES = 16


def _emb_body(tok_hbm, tok_emb_hbm, pos_emb_hbm, out_hbm,
              idx_v, pos_v, bufs, psem, gsems, ssems):
    c = lax.axis_index("c")
    s = lax.axis_index("s")
    wid = s * 2 + c
    s0 = wid * SW

    pos_d = pltpu.async_copy(pos_emb_hbm.at[pl.ds(s0, SW)], pos_v, psem)

    pltpu.sync_copy(tok_hbm.at[pl.ds(0, B), pl.ds(s0, SW)], idx_v)

    def start_gather(j):
        b, h = divmod(j, HB)
        return pltpu.async_copy(
            tok_emb_hbm.at[idx_v.at[b, pl.ds(h * CHUNK, CHUNK)]],
            bufs[j % NBUF], gsems[j % NBUF])

    def start_store(j):
        b, h = divmod(j, HB)
        return pltpu.async_copy(
            bufs[j % NBUF], out_hbm.at[b, pl.ds(s0 + h * CHUNK, CHUNK)],
            ssems[j % NBUF])

    gat_d = [None] * NCH
    st_d = [None] * NCH

    for j in range(NBUF):
        gat_d[j] = start_gather(j)

    pos_d.wait()
    for j in range(NCH):
        gat_d[j].wait()
        if j >= 2 and (j - 2) + NBUF < NCH:
            st_d[j - 2].wait()
            gat_d[(j - 2) + NBUF] = start_gather((j - 2) + NBUF)
        buf = bufs[j % NBUF]
        h0 = (j % HB) * CHUNK

        @plsc.parallel_loop(0, CHUNK, step=1, unroll=1)
        def add_pos(r):
            for k in range(E // LANES):
                sl = pl.ds(k * LANES, LANES)
                plsc.addupdate(buf.at[r, sl], pos_v[h0 + r, sl])

        st_d[j] = start_store(j)

    for j in range(NCH):
        if j + NBUF >= NCH:
            st_d[j].wait()


@jax.jit
def _emb(tokens, tok_emb, pos_emb):
    mesh = plsc.VectorSubcoreMesh(core_axis_name="c", subcore_axis_name="s")
    run = pl.kernel(
        _emb_body,
        out_type=jax.ShapeDtypeStruct((B, S, E), jnp.float32),
        mesh=mesh,
        scratch_types=[
            pltpu.VMEM((B, SW), jnp.int32),
            pltpu.VMEM((SW, E), jnp.float32),
            [pltpu.VMEM((CHUNK, E), jnp.float32) for _ in range(NBUF)],
            pltpu.SemaphoreType.DMA,
            [pltpu.SemaphoreType.DMA for _ in range(NBUF)],
            [pltpu.SemaphoreType.DMA for _ in range(NBUF)],
        ],
    )
    return run(tokens, tok_emb, pos_emb)


def kernel(tokens, tok_emb, pos_emb):
    return _emb(tokens.astype(jnp.int32), tok_emb, pos_emb)

# --- scband reference (transcript-rebuilt; emitter-appended) ---
"""Pipeline reference for scband-embeddings-10093173146201 (READ-ONLY COPY).

The authoritative reference and input builder live on the scoring server;
editing this copy changes nothing except your own understanding.
"""

import jax, jax.numpy as jnp
import numpy as np

VOCAB = 100000
MAX_CTX = 8192
EMB = 128
B, S = 4, 8192

def setup_inputs(seed: int = 0) -> dict:
    key = jax.random.key(seed)
    k_tok, k_te, k_pe = jax.random.split(key, 3)
    tokens = jax.random.randint(k_tok, (B, S), 0, VOCAB, dtype=jnp.int64 if jax.config.jax_enable_x64 else jnp.int32)
    tok_emb = jax.random.normal(k_te, (VOCAB, EMB), dtype=jnp.float32) * 0.02
    pos_emb = jax.random.normal(k_pe, (MAX_CTX, EMB), dtype=jnp.float32) * 0.02
    return {"tokens": tokens, "tok_emb": tok_emb, "pos_emb": pos_emb}

def reference(tokens, tok_emb, pos_emb):
    seq_len = tokens.shape[1]
    position_ids = jnp.arange(seq_len)[None, :]  # [1, S]
    token_emb = jnp.take(tok_emb, tokens, axis=0)          # [B, S, E]
    p_emb = jnp.take(pos_emb, position_ids, axis=0)        # [1, S, E]
    emb = token_emb + p_emb
    # dropout p=0.0 -> identity (module uses nn.Dropout(0.0))
    return emb

if __name__ == "__main__":
    import jax
    _d = setup_inputs()
    print(jax.jit(kernel)(*tuple(_d.values())))

</pallas_src>

<mosaic_0001>
#map = affine_map<(d0, d1) -> (0, 0)>
#map1 = affine_map<(d0, d1) -> (0, 0, 0)>
module attributes {stable_mosaic.version = 14 : i64} {
  func.func @_emb_body(%arg0: i32, %arg1: i32, %arg2: memref<4x8192xi32, #tpu.memory_space<hbm>>, %arg3: memref<100000x128xf32, #tpu.memory_space<hbm>>, %arg4: memref<8192x128xf32, #tpu.memory_space<hbm>>, %arg5: memref<4x8192x128xf32, #tpu.memory_space<hbm>>, %arg6: memref<4x256xi32, #tpu.memory_space<vmem>>, %arg7: memref<256x128xf32, #tpu.memory_space<vmem>>, %arg8: memref<128x128xf32, #tpu.memory_space<vmem>>, %arg9: memref<128x128xf32, #tpu.memory_space<vmem>>, %arg10: memref<128x128xf32, #tpu.memory_space<vmem>>, %arg11: memref<128x128xf32, #tpu.memory_space<vmem>>, %arg12: memref<128x128xf32, #tpu.memory_space<vmem>>, %arg13: memref<!tpu.dma_semaphore, #tpu.memory_space<semaphore_mem>>, %arg14: memref<!tpu.dma_semaphore, #tpu.memory_space<semaphore_mem>>, %arg15: memref<!tpu.dma_semaphore, #tpu.memory_space<semaphore_mem>>, %arg16: memref<!tpu.dma_semaphore, #tpu.memory_space<semaphore_mem>>, %arg17: memref<!tpu.dma_semaphore, #tpu.memory_space<semaphore_mem>>, %arg18: memref<!tpu.dma_semaphore, #tpu.memory_space<semaphore_mem>>, %arg19: memref<!tpu.dma_semaphore, #tpu.memory_space<semaphore_mem>>, %arg20: memref<!tpu.dma_semaphore, #tpu.memory_space<semaphore_mem>>, %arg21: memref<!tpu.dma_semaphore, #tpu.memory_space<semaphore_mem>>, %arg22: memref<!tpu.dma_semaphore, #tpu.memory_space<semaphore_mem>>, %arg23: memref<!tpu.dma_semaphore, #tpu.memory_space<semaphore_mem>>) attributes {dimension_semantics = [#tpu.dimension_semantics<core_parallel>, #tpu.dimension_semantics<subcore_parallel>], iteration_bounds = array<i64: 2, 16>, scalar_prefetch = 0 : i64, scratch_operands = 18 : i64, tpu.core_type = #tpu.core_type<sc_vector_subcore>, window_params = [{transform_indices = #map}, {transform_indices = #map}, {transform_indices = #map}, {transform_indices = #map1}]} {
    %mul3A = arith.constant 2 : i32
    %mul3A_0 = arith.muli %arg1, %mul3A : i32
    %add3A = arith.addi %mul3A_0, %arg0 : i32
    %mul3A_1 = arith.constant 256 : i32
    %mul3A_2 = arith.muli %add3A, %mul3A_1 : i32
    %dma_start3A = arith.constant 0 : i32
    %dma_start3A_3 = tpu.memref_slice %arg4[%mul3A_2, %dma_start3A] : memref<8192x128xf32, #tpu.memory_space<hbm>> -> memref<256x128xf32, #tpu.memory_space<hbm>>
    %dma_start3A_4 = arith.constant 0 : i32
    %dma_start3A_5 = tpu.memref_slice %arg4[%mul3A_2, %dma_start3A_4] : memref<8192x128xf32, #tpu.memory_space<hbm>> -> memref<256x128xf32, #tpu.memory_space<hbm>>
    tpu.enqueue_dma source(%dma_start3A_5 : memref<256x128xf32, #tpu.memory_space<hbm>>) target(%arg7 : memref<256x128xf32, #tpu.memory_space<vmem>>) target_semaphore(%arg13 : memref<!tpu.dma_semaphore, #tpu.memory_space<semaphore_mem>>)
    "tpu.region"() ({
      %run_scoped3A = tpu.sem_alloc : memref<!tpu.dma_semaphore, #tpu.memory_space<semaphore_mem>>
      %dma_start3A_272 = arith.constant 0 : i32
      %dma_start3A_273 = tpu.memref_slice %arg2[%dma_start3A_272, %mul3A_2] : memref<4x8192xi32, #tpu.memory_space<hbm>> -> memref<4x256xi32, #tpu.memory_space<hbm>>
      %dma_start3A_274 = arith.constant 0 : i32
      %dma_start3A_275 = tpu.memref_slice %arg2[%dma_start3A_274, %mul3A_2] : memref<4x8192xi32, #tpu.memory_space<hbm>> -> memref<4x256xi32, #tpu.memory_space<hbm>>
      tpu.enqueue_dma source(%dma_start3A_275 : memref<4x256xi32, #tpu.memory_space<hbm>>) target(%arg6 : memref<4x256xi32, #tpu.memory_space<vmem>>) target_semaphore(%run_scoped3A : memref<!tpu.dma_semaphore, #tpu.memory_space<semaphore_mem>>)
      %dma_wait3A_276 = arith.constant 0 : i32
      %dma_wait3A_277 = tpu.memref_slice %arg2[%dma_wait3A_276, %mul3A_2] : memref<4x8192xi32, #tpu.memory_space<hbm>> -> memref<4x256xi32, #tpu.memory_space<hbm>>
      %dma_wait3A_278 = arith.constant 0 : i32
      %dma_wait3A_279 = tpu.memref_slice %arg2[%dma_wait3A_278, %mul3A_2] : memref<4x8192xi32, #tpu.memory_space<hbm>> -> memref<4x256xi32, #tpu.memory_space<hbm>>
      tpu.wait_dma2 semaphore(%run_scoped3A : memref<!tpu.dma_semaphore, #tpu.memory_space<semaphore_mem>>) src(%dma_wait3A_279 : memref<4x256xi32, #tpu.memory_space<hbm>>) dst(%arg6 : memref<4x256xi32, #tpu.memory_space<vmem>>)
      tpu.yield
    }) : () -> ()
    %dma_start3A_6 = arith.constant 0 : i32
    %dma_start3A_7 = arith.constant 0 : i32
    %dma_start3A_8 = tpu.memref_slice %arg6[%dma_start3A_6, %dma_start3A_7] : memref<4x256xi32, #tpu.memory_space<vmem>> -> memref<1x128xi32, #tpu.memory_space<vmem>>
    %dma_start3A_9 = tpu.memref_squeeze %dma_start3A_8 : memref<1x128xi32, #tpu.memory_space<vmem>> -> memref<128xi32, #tpu.memory_space<vmem>>
    %dma_start3A_10 = arith.constant 0 : i32
    %dma_start3A_11 = arith.constant 0 : i32
    %dma_start3A_12 = tpu.memref_slice %arg3[%dma_start3A_10, %dma_start3A_11] : memref<100000x128xf32, #tpu.memory_space<hbm>> -> memref<100000x128xf32, #tpu.memory_space<hbm>>
    tpu.enqueue_indirect_dma source(%dma_start3A_12 : memref<100000x128xf32, #tpu.memory_space<hbm>>) target(%arg8 : memref<128x128xf32, #tpu.memory_space<vmem>>) offsets(%dma_start3A_9 : memref<128xi32, #tpu.memory_space<vmem>>) semaphore(%arg14 : memref<!tpu.dma_semaphore, #tpu.memory_space<semaphore_mem>>)
    %dma_start3A_13 = arith.constant 0 : i32
    %dma_start3A_14 = arith.constant 128 : i32
    %dma_start3A_15 = tpu.memref_slice %arg6[%dma_start3A_13, %dma_start3A_14] : memref<4x256xi32, #tpu.memory_space<vmem>> -> memref<1x128xi32, #tpu.memory_space<vmem>>
    %dma_start3A_16 = tpu.memref_squeeze %dma_start3A_15 : memref<1x128xi32, #tpu.memory_space<vmem>> -> memref<128xi32, #tpu.memory_space<vmem>>
    %dma_start3A_17 = arith.constant 0 : i32
    %dma_start3A_18 = arith.constant 0 : i32
    %dma_start3A_19 = tpu.memref_slice %arg3[%dma_start3A_17, %dma_start3A_18] : memref<100000x128xf32, #tpu.memory_space<hbm>> -> memref<100000x128xf32, #tpu.memory_space<hbm>>
    tpu.enqueue_indirect_dma source(%dma_start3A_19 : memref<100000x128xf32, #tpu.memory_space<hbm>>) target(%arg9 : memref<128x128xf32, #tpu.memory_space<vmem>>) offsets(%dma_start3A_16 : memref<128xi32, #tpu.memory_space<vmem>>) semaphore(%arg15 : memref<!tpu.dma_semaphore, #tpu.memory_space<semaphore_mem>>)
    %dma_start3A_20 = arith.constant 1 : i32
    %dma_start3A_21 = arith.constant 0 : i32
    %dma_start3A_22 = tpu.memref_slice %arg6[%dma_start3A_20, %dma_start3A_21] : memref<4x256xi32, #tpu.memory_space<vmem>> -> memref<1x128xi32, #tpu.memory_space<vmem>>
    %dma_start3A_23 = tpu.memref_squeeze %dma_start3A_22 : memref<1x128xi32, #tpu.memory_space<vmem>> -> memref<128xi32, #tpu.memory_space<vmem>>
    %dma_start3A_24 = arith.constant 0 : i32
    %dma_start3A_25 = arith.constant 0 : i32
    %dma_start3A_26 = tpu.memref_slice %arg3[%dma_start3A_24, %dma_start3A_25] : memref<100000x128xf32, #tpu.memory_space<hbm>> -> memref<100000x128xf32, #tpu.memory_space<hbm>>
    tpu.enqueue_indirect_dma source(%dma_start3A_26 : memref<100000x128xf32, #tpu.memory_space<hbm>>) target(%arg10 : memref<128x128xf32, #tpu.memory_space<vmem>>) offsets(%dma_start3A_23 : memref<128xi32, #tpu.memory_space<vmem>>) semaphore(%arg16 : memref<!tpu.dma_semaphore, #tpu.memory_space<semaphore_mem>>)
    %dma_start3A_27 = arith.constant 1 : i32
    %dma_start3A_28 = arith.constant 128 : i32
    %dma_start3A_29 = tpu.memref_slice %arg6[%dma_start3A_27, %dma_start3A_28] : memref<4x256xi32, #tpu.memory_space<vmem>> -> memref<1x128xi32, #tpu.memory_space<vmem>>
    %dma_start3A_30 = tpu.memref_squeeze %dma_start3A_29 : memref<1x128xi32, #tpu.memory_space<vmem>> -> memref<128xi32, #tpu.memory_space<vmem>>
    %dma_start3A_31 = arith.constant 0 : i32
    %dma_start3A_32 = arith.constant 0 : i32
    %dma_start3A_33 = tpu.memref_slice %arg3[%dma_start3A_31, %dma_start3A_32] : memref<100000x128xf32, #tpu.memory_space<hbm>> -> memref<100000x128xf32, #tpu.memory_space<hbm>>
    tpu.enqueue_indirect_dma source(%dma_start3A_33 : memref<100000x128xf32, #tpu.memory_space<hbm>>) target(%arg11 : memref<128x128xf32, #tpu.memory_space<vmem>>) offsets(%dma_start3A_30 : memref<128xi32, #tpu.memory_space<vmem>>) semaphore(%arg17 : memref<!tpu.dma_semaphore, #tpu.memory_space<semaphore_mem>>)
    %dma_start3A_34 = arith.constant 2 : i32
    %dma_start3A_35 = arith.constant 0 : i32
    %dma_start3A_36 = tpu.memref_slice %arg6[%dma_start3A_34, %dma_start3A_35] : memref<4x256xi32, #tpu.memory_space<vmem>> -> memref<1x128xi32, #tpu.memory_space<vmem>>
    %dma_start3A_37 = tpu.memref_squeeze %dma_start3A_36 : memref<1x128xi32, #tpu.memory_space<vmem>> -> memref<128xi32, #tpu.memory_space<vmem>>
    %dma_start3A_38 = arith.constant 0 : i32
    %dma_start3A_39 = arith.constant 0 : i32
    %dma_start3A_40 = tpu.memref_slice %arg3[%dma_start3A_38, %dma_start3A_39] : memref<100000x128xf32, #tpu.memory_space<hbm>> -> memref<100000x128xf32, #tpu.memory_space<hbm>>
    tpu.enqueue_indirect_dma source(%dma_start3A_40 : memref<100000x128xf32, #tpu.memory_space<hbm>>) target(%arg12 : memref<128x128xf32, #tpu.memory_space<vmem>>) offsets(%dma_start3A_37 : memref<128xi32, #tpu.memory_space<vmem>>) semaphore(%arg18 : memref<!tpu.dma_semaphore, #tpu.memory_space<semaphore_mem>>)
    %dma_wait3A = arith.constant 0 : i32
    %dma_wait3A_41 = tpu.memref_slice %arg4[%mul3A_2, %dma_wait3A] : memref<8192x128xf32, #tpu.memory_space<hbm>> -> memref<256x128xf32, #tpu.memory_space<hbm>>
    %dma_wait3A_42 = arith.constant 0 : i32
    %dma_wait3A_43 = tpu.memref_slice %arg4[%mul3A_2, %dma_wait3A_42] : memref<8192x128xf32, #tpu.memory_space<hbm>> -> memref<256x128xf32, #tpu.memory_space<hbm>>
    tpu.wait_dma2 semaphore(%arg13 : memref<!tpu.dma_semaphore, #tpu.memory_space<semaphore_mem>>) src(%dma_wait3A_43 : memref<256x128xf32, #tpu.memory_space<hbm>>) dst(%arg7 : memref<256x128xf32, #tpu.memory_space<vmem>>)
    %dma_wait3A_44 = arith.constant 0 : i32
    %dma_wait3A_45 = arith.constant 0 : i32
    %dma_wait3A_46 = tpu.memref_slice %arg6[%dma_wait3A_44, %dma_wait3A_45] : memref<4x256xi32, #tpu.memory_space<vmem>> -> memref<1x128xi32, #tpu.memory_space<vmem>>
    %dma_wait3A_47 = tpu.memref_squeeze %dma_wait3A_46 : memref<1x128xi32, #tpu.memory_space<vmem>> -> memref<128xi32, #tpu.memory_space<vmem>>
    %dma_wait3A_48 = arith.constant 0 : i32
    %dma_wait3A_49 = arith.constant 0 : i32
    %dma_wait3A_50 = tpu.memref_slice %arg3[%dma_wait3A_48, %dma_wait3A_49] : memref<100000x128xf32, #tpu.memory_space<hbm>> -> memref<100000x128xf32, #tpu.memory_space<hbm>>
    tpu.wait_indirect_dma semaphore(%arg14 : memref<!tpu.dma_semaphore, #tpu.memory_space<semaphore_mem>>) src(%dma_wait3A_50 : memref<100000x128xf32, #tpu.memory_space<hbm>>) dst(%arg8 : memref<128x128xf32, #tpu.memory_space<vmem>>)
    %parallel_loop3A = arith.constant 0 : i32
    %parallel_loop3A_51 = arith.constant 128 : i32
    %parallel_loop3A_52 = arith.constant 1 : i32
    scf.for %parallel_loop3A_272 = %parallel_loop3A to %parallel_loop3A_51 step %parallel_loop3A_52  : i32 {
      %parallel_loop3A_273 = arith.constant 0 : i32
      %parallel_loop3A_274 = arith.addi %parallel_loop3A_273, %parallel_loop3A_272 : i32
      %parallel_loop3A_275 = arith.index_cast %parallel_loop3A_274 : i32 to index
      %parallel_loop3A_276 = arith.constant 0 : index
      %parallel_loop3A_277 = tpu.vector_load %arg7[%parallel_loop3A_275, %parallel_loop3A_276] {strides = array<i32>} : memref<256x128xf32, #tpu.memory_space<vmem>>, vector<1x16xf32>,
      %parallel_loop3A_278 = vector.shape_cast %parallel_loop3A_277 : vector<1x16xf32> to vector<16xf32>
      %parallel_loop3A_279 = arith.index_cast %parallel_loop3A_272 : i32 to index
      %parallel_loop3A_280 = arith.constant 0 : index
      %parallel_loop3A_281 = tpu.vector_load %arg8[%parallel_loop3A_279, %parallel_loop3A_280] {strides = array<i32>} : memref<128x128xf32, #tpu.memory_space<vmem>>, vector<1x16xf32>,
      %parallel_loop3A_282 = vector.shape_cast %parallel_loop3A_281 : vector<1x16xf32> to vector<16xf32>
      %parallel_loop3A_283 = vector.shape_cast %parallel_loop3A_278 : vector<16xf32> to vector<1x16xf32>
      tpu.vector_store %arg8[%parallel_loop3A_279, %parallel_loop3A_280], %parallel_loop3A_283 {add = true, strides = array<i32>} : memref<128x128xf32, #tpu.memory_space<vmem>>, vector<1x16xf32>,
      %parallel_loop3A_284 = arith.constant 0 : i32
      %parallel_loop3A_285 = arith.addi %parallel_loop3A_284, %parallel_loop3A_272 : i32
      %parallel_loop3A_286 = arith.index_cast %parallel_loop3A_285 : i32 to index
      %parallel_loop3A_287 = arith.constant 16 : index
      %parallel_loop3A_288 = tpu.vector_load %arg7[%parallel_loop3A_286, %parallel_loop3A_287] {strides = array<i32>} : memref<256x128xf32, #tpu.memory_space<vmem>>, vector<1x16xf32>,
      %parallel_loop3A_289 = vector.shape_cast %parallel_loop3A_288 : vector<1x16xf32> to vector<16xf32>
      %parallel_loop3A_290 = arith.index_cast %parallel_loop3A_272 : i32 to index
      %parallel_loop3A_291 = arith.constant 16 : index
      %parallel_loop3A_292 = tpu.vector_load %arg8[%parallel_loop3A_290, %parallel_loop3A_291] {strides = array<i32>} : memref<128x128xf32, #tpu.memory_space<vmem>>, vector<1x16xf32>,
      %parallel_loop3A_293 = vector.shape_cast %parallel_loop3A_292 : vector<1x16xf32> to vector<16xf32>
      %parallel_loop3A_294 = vector.shape_cast %parallel_loop3A_289 : vector<16xf32> to vector<1x16xf32>
      tpu.vector_store %arg8[%parallel_loop3A_290, %parallel_loop3A_291], %parallel_loop3A_294 {add = true, strides = array<i32>} : memref<128x128xf32, #tpu.memory_space<vmem>>, vector<1x16xf32>,
      %parallel_loop3A_295 = arith.constant 0 : i32
      %parallel_loop3A_296 = arith.addi %parallel_loop3A_295, %parallel_loop3A_272 : i32
      %parallel_loop3A_297 = arith.index_cast %parallel_loop3A_296 : i32 to index
      %parallel_loop3A_298 = arith.constant 32 : index
      %parallel_loop3A_299 = tpu.vector_load %arg7[%parallel_loop3A_297, %parallel_loop3A_298] {strides = array<i32>} : memref<256x128xf32, #tpu.memory_space<vmem>>, vector<1x16xf32>,
      %parallel_loop3A_300 = vector.shape_cast %parallel_loop3A_299 : vector<1x16xf32> to vector<16xf32>
      %parallel_loop3A_301 = arith.index_cast %parallel_loop3A_272 : i32 to index
      %parallel_loop3A_302 = arith.constant 32 : index
      %parallel_loop3A_303 = tpu.vector_load %arg8[%parallel_loop3A_301, %parallel_loop3A_302] {strides = array<i32>} : memref<128x128xf32, #tpu.memory_space<vmem>>, vector<1x16xf32>,
      %parallel_loop3A_304 = vector.shape_cast %parallel_loop3A_303 : vector<1x16xf32> to vector<16xf32>
      %parallel_loop3A_305 = vector.shape_cast %parallel_loop3A_300 : vector<16xf32> to vector<1x16xf32>
      tpu.vector_store %arg8[%parallel_loop3A_301, %parallel_loop3A_302], %parallel_loop3A_305 {add = true, strides = array<i32>} : memref<128x128xf32, #tpu.memory_space<vmem>>, vector<1x16xf32>,
      %parallel_loop3A_306 = arith.constant 0 : i32
      %parallel_loop3A_307 = arith.addi %parallel_loop3A_306, %parallel_loop3A_272 : i32
      %parallel_loop3A_308 = arith.index_cast %parallel_loop3A_307 : i32 to index
      %parallel_loop3A_309 = arith.constant 48 : index
      %parallel_loop3A_310 = tpu.vector_load %arg7[%parallel_loop3A_308, %parallel_loop3A_309] {strides = array<i32>} : memref<256x128xf32, #tpu.memory_space<vmem>>, vector<1x16xf32>,
      %parallel_loop3A_311 = vector.shape_cast %parallel_loop3A_310 : vector<1x16xf32> to vector<16xf32>
      %parallel_loop3A_312 = arith.index_cast %parallel_loop3A_272 : i32 to index
      %parallel_loop3A_313 = arith.constant 48 : index
      %parallel_loop3A_314 = tpu.vector_load %arg8[%parallel_loop3A_312, %parallel_loop3A_313] {strides = array<i32>} : memref<128x128xf32, #tpu.memory_space<vmem>>, vector<1x16xf32>,
      %parallel_loop3A_315 = vector.shape_cast %parallel_loop3A_314 : vector<1x16xf32> to vector<16xf32>
      %parallel_loop3A_316 = vector.shape_cast %parallel_loop3A_311 : vector<16xf32> to vector<1x16xf32>
      tpu.vector_store %arg8[%parallel_loop3A_312, %parallel_loop3A_313], %parallel_loop3A_316 {add = true, strides = array<i32>} : memref<128x128xf32, #tpu.memory_space<vmem>>, vector<1x16xf32>,
      %parallel_loop3A_317 = arith.constant 0 : i32
      %parallel_loop3A_318 = arith.addi %parallel_loop3A_317, %parallel_loop3A_272 : i32
      %parallel_loop3A_319 = arith.index_cast %parallel_loop3A_318 : i32 to index
      %parallel_loop3A_320 = arith.constant 64 : index
      %parallel_loop3A_321 = tpu.vector_load %arg7[%parallel_loop3A_319, %parallel_loop3A_320] {strides = array<i32>} : memref<256x128xf32, #tpu.memory_space<vmem>>, vector<1x16xf32>,
      %parallel_loop3A_322 = vector.shape_cast %parallel_loop3A_321 : vector<1x16xf32> to vector<16xf32>
      %parallel_loop3A_323 = arith.index_cast %parallel_loop3A_272 : i32 to index
      %parallel_loop3A_324 = arith.constant 64 : index
      %parallel_loop3A_325 = tpu.vector_load %arg8[%parallel_loop3A_323, %parallel_loop3A_324] {strides = array<i32>} : memref<128x128xf32, #tpu.memory_space<vmem>>, vector<1x16xf32>,
      %parallel_loop3A_326 = vector.shape_cast %parallel_loop3A_325 : vector<1x16xf32> to vector<16xf32>
      %parallel_loop3A_327 = vector.shape_cast %parallel_loop3A_322 : vector<16xf32> to vector<1x16xf32>
      tpu.vector_store %arg8[%parallel_loop3A_323, %parallel_loop3A_324], %parallel_loop3A_327 {add = true, strides = array<i32>} : memref<128x128xf32, #tpu.memory_space<vmem>>, vector<1x16xf32>,
      %parallel_loop3A_328 = arith.constant 0 : i32
      %parallel_loop3A_329 = arith.addi %parallel_loop3A_328, %parallel_loop3A_272 : i32
      %parallel_loop3A_330 = arith.index_cast %parallel_loop3A_329 : i32 to index
      %parallel_loop3A_331 = arith.constant 80 : index
      %parallel_loop3A_332 = tpu.vector_load %arg7[%parallel_loop3A_330, %parallel_loop3A_331] {strides = array<i32>} : memref<256x128xf32, #tpu.memory_space<vmem>>, vector<1x16xf32>,
      %parallel_loop3A_333 = vector.shape_cast %parallel_loop3A_332 : vector<1x16xf32> to vector<16xf32>
      %parallel_loop3A_334 = arith.index_cast %parallel_loop3A_272 : i32 to index
      %parallel_loop3A_335 = arith.constant 80 : index
      %parallel_loop3A_336 = tpu.vector_load %arg8[%parallel_loop3A_334, %parallel_loop3A_335] {strides = array<i32>} : memref<128x128xf32, #tpu.memory_space<vmem>>, vector<1x16xf32>,
      %parallel_loop3A_337 = vector.shape_cast %parallel_loop3A_336 : vector<1x16xf32> to vector<16xf32>
      %parallel_loop3A_338 = vector.shape_cast %parallel_loop3A_333 : vector<16xf32> to vector<1x16xf32>
      tpu.vector_store %arg8[%parallel_loop3A_334, %parallel_loop3A_335], %parallel_loop3A_338 {add = true, strides = array<i32>} : memref<128x128xf32, #tpu.memory_space<vmem>>, vector<1x16xf32>,
      %parallel_loop3A_339 = arith.constant 0 : i32
      %parallel_loop3A_340 = arith.addi %parallel_loop3A_339, %parallel_loop3A_272 : i32
      %parallel_loop3A_341 = arith.index_cast %parallel_loop3A_340 : i32 to index
      %parallel_loop3A_342 = arith.constant 96 : index
      %parallel_loop3A_343 = tpu.vector_load %arg7[%parallel_loop3A_341, %parallel_loop3A_342] {strides = array<i32>} : memref<256x128xf32, #tpu.memory_space<vmem>>, vector<1x16xf32>,
      %parallel_loop3A_344 = vector.shape_cast %parallel_loop3A_343 : vector<1x16xf32> to vector<16xf32>
      %parallel_loop3A_345 = arith.index_cast %parallel_loop3A_272 : i32 to index
      %parallel_loop3A_346 = arith.constant 96 : index
      %parallel_loop3A_347 = tpu.vector_load %arg8[%parallel_loop3A_345, %parallel_loop3A_346] {strides = array<i32>} : memref<128x128xf32, #tpu.memory_space<vmem>>, vector<1x16xf32>,
      %parallel_loop3A_348 = vector.shape_cast %parallel_loop3A_347 : vector<1x16xf32> to vector<16xf32>
      %parallel_loop3A_349 = vector.shape_cast %parallel_loop3A_344 : vector<16xf32> to vector<1x16xf32>
      tpu.vector_store %arg8[%parallel_loop3A_345, %parallel_loop3A_346], %parallel_loop3A_349 {add = true, strides = array<i32>} : memref<128x128xf32, #tpu.memory_space<vmem>>, vector<1x16xf32>,
      %parallel_loop3A_350 = arith.constant 0 : i32
      %parallel_loop3A_351 = arith.addi %parallel_loop3A_350, %parallel_loop3A_272 : i32
      %parallel_loop3A_352 = arith.index_cast %parallel_loop3A_351 : i32 to index
      %parallel_loop3A_353 = arith.constant 112 : index
      %parallel_loop3A_354 = tpu.vector_load %arg7[%parallel_loop3A_352, %parallel_loop3A_353] {strides = array<i32>} : memref<256x128xf32, #tpu.memory_space<vmem>>, vector<1x16xf32>,
      %parallel_loop3A_355 = vector.shape_cast %parallel_loop3A_354 : vector<1x16xf32> to vector<16xf32>
      %parallel_loop3A_356 = arith.index_cast %parallel_loop3A_272 : i32 to index
      %parallel_loop3A_357 = arith.constant 112 : index
      %parallel_loop3A_358 = tpu.vector_load %arg8[%parallel_loop3A_356, %parallel_loop3A_357] {strides = array<i32>} : memref<128x128xf32, #tpu.memory_space<vmem>>, vector<1x16xf32>,
      %parallel_loop3A_359 = vector.shape_cast %parallel_loop3A_358 : vector<1x16xf32> to vector<16xf32>
      %parallel_loop3A_360 = vector.shape_cast %parallel_loop3A_355 : vector<16xf32> to vector<1x16xf32>
      tpu.vector_store %arg8[%parallel_loop3A_356, %parallel_loop3A_357], %parallel_loop3A_360 {add = true, strides = array<i32>} : memref<128x128xf32, #tpu.memory_space<vmem>>, vector<1x16xf32>,
    } {sc.loop_unroll_factor = 1 : i64, sc.parallel_access}
    %add3A_53 = arith.constant 0 : i32
    %add3A_54 = arith.addi %mul3A_2, %add3A_53 : i32
    %dma_start3A_55 = arith.constant 0 : i32
    %dma_start3A_56 = arith.constant 0 : i32
    %dma_start3A_57 = tpu.memref_slice %arg5[%dma_start3A_55, %add3A_54, %dma_start3A_56] : memref<4x8192x128xf32, #tpu.memory_space<hbm>> -> memref<1x128x128xf32, #tpu.memory_space<hbm>>
    %dma_start3A_58 = tpu.memref_squeeze %dma_start3A_57 : memref<1x128x128xf32, #tpu.memory_space<hbm>> -> memref<128x128xf32, #tpu.memory_space<hbm>>
    %dma_start3A_59 = arith.constant 0 : i32
    %dma_start3A_60 = tpu.memref_slice %arg5[%dma_start3A_55, %add3A_54, %dma_start3A_59] : memref<4x8192x128xf32, #tpu.memory_space<hbm>> -> memref<1x128x128xf32, #tpu.memory_space<hbm>>
    %dma_start3A_61 = tpu.memref_squeeze %dma_start3A_60 : memref<1x128x128xf32, #tpu.memory_space<hbm>> -> memref<128x128xf32, #tpu.memory_space<hbm>>
    tpu.enqueue_dma source(%arg8 : memref<128x128xf32, #tpu.memory_space<vmem>>) target(%dma_start3A_61 : memref<128x128xf32, #tpu.memory_space<hbm>>) target_semaphore(%arg19 : memref<!tpu.dma_semaphore, #tpu.memory_space<semaphore_mem>>)
    %dma_wait3A_62 = arith.constant 0 : i32
    %dma_wait3A_63 = arith.constant 128 : i32
    %dma_wait3A_64 = tpu.memref_slice %arg6[%dma_wait3A_62, %dma_wait3A_63] : memref<4x256xi32, #tpu.memory_space<vmem>> -> memref<1x128xi32, #tpu.memory_space<vmem>>
    %dma_wait3A_65 = tpu.memref_squeeze %dma_wait3A_64 : memref<1x128xi32, #tpu.memory_space<vmem>> -> memref<128xi32, #tpu.memory_space<vmem>>
    %dma_wait3A_66 = arith.constant 0 : i32
    %dma_wait3A_67 = arith.constant 0 : i32
    %dma_wait3A_68 = tpu.memref_slice %arg3[%dma_wait3A_66, %dma_wait3A_67] : memref<100000x128xf32, #tpu.memory_space<hbm>> -> memref<100000x128xf32, #tpu.memory_space<hbm>>
    tpu.wait_indirect_dma semaphore(%arg15 : memref<!tpu.dma_semaphore, #tpu.memory_space<semaphore_mem>>) src(%dma_wait3A_68 : memref<100000x128xf32, #tpu.memory_space<hbm>>) dst(%arg9 : memref<128x128xf32, #tpu.memory_space<vmem>>)
    %parallel_loop3A_69 = arith.constant 0 : i32
    %parallel_loop3A_70 = arith.constant 128 : i32
    %parallel_loop3A_71 = arith.constant 1 : i32
    scf.for %parallel_loop3A_272 = %parallel_loop3A_69 to %parallel_loop3A_70 step %parallel_loop3A_71  : i32 {
      %parallel_loop3A_273 = arith.constant 128 : i32
      %parallel_loop3A_274 = arith.addi %parallel_loop3A_273, %parallel_loop3A_272 : i32
      %parallel_loop3A_275 = arith.index_cast %parallel_loop3A_274 : i32 to index
      %parallel_loop3A_276 = arith.constant 0 : index
      %parallel_loop3A_277 = tpu.vector_load %arg7[%parallel_loop3A_275, %parallel_loop3A_276] {strides = array<i32>} : memref<256x128xf32, #tpu.memory_space<vmem>>, vector<1x16xf32>,
      %parallel_loop3A_278 = vector.shape_cast %parallel_loop3A_277 : vector<1x16xf32> to vector<16xf32>
      %parallel_loop3A_279 = arith.index_cast %parallel_loop3A_272 : i32 to index
      %parallel_loop3A_280 = arith.constant 0 : index
      %parallel_loop3A_281 = tpu.vector_load %arg9[%parallel_loop3A_279, %parallel_loop3A_280] {strides = array<i32>} : memref<128x128xf32, #tpu.memory_space<vmem>>, vector<1x16xf32>,
      %parallel_loop3A_282 = vector.shape_cast %parallel_loop3A_281 : vector<1x16xf32> to vector<16xf32>
      %parallel_loop3A_283 = vector.shape_cast %parallel_loop3A_278 : vector<16xf32> to vector<1x16xf32>
      tpu.vector_store %arg9[%parallel_loop3A_279, %parallel_loop3A_280], %parallel_loop3A_283 {add = true, strides = array<i32>} : memref<128x128xf32, #tpu.memory_space<vmem>>, vector<1x16xf32>,
      %parallel_loop3A_284 = arith.constant 128 : i32
      %parallel_loop3A_285 = arith.addi %parallel_loop3A_284, %parallel_loop3A_272 : i32
      %parallel_loop3A_286 = arith.index_cast %parallel_loop3A_285 : i32 to index
      %parallel_loop3A_287 = arith.constant 16 : index
      %parallel_loop3A_288 = tpu.vector_load %arg7[%parallel_loop3A_286, %parallel_loop3A_287] {strides = array<i32>} : memref<256x128xf32, #tpu.memory_space<vmem>>, vector<1x16xf32>,
      %parallel_loop3A_289 = vector.shape_cast %parallel_loop3A_288 : vector<1x16xf32> to vector<16xf32>
      %parallel_loop3A_290 = arith.index_cast %parallel_loop3A_272 : i32 to index
      %parallel_loop3A_291 = arith.constant 16 : index
      %parallel_loop3A_292 = tpu.vector_load %arg9[%parallel_loop3A_290, %parallel_loop3A_291] {strides = array<i32>} : memref<128x128xf32, #tpu.memory_space<vmem>>, vector<1x16xf32>,
      %parallel_loop3A_293 = vector.shape_cast %parallel_loop3A_292 : vector<1x16xf32> to vector<16xf32>
      %parallel_loop3A_294 = vector.shape_cast %parallel_loop3A_289 : vector<16xf32> to vector<1x16xf32>
      tpu.vector_store %arg9[%parallel_loop3A_290, %parallel_loop3A_291], %parallel_loop3A_294 {add = true, strides = array<i32>} : memref<128x128xf32, #tpu.memory_space<vmem>>, vector<1x16xf32>,
      %parallel_loop3A_295 = arith.constant 128 : i32
      %parallel_loop3A_296 = arith.addi %parallel_loop3A_295, %parallel_loop3A_272 : i32
      %parallel_loop3A_297 = arith.index_cast %parallel_loop3A_296 : i32 to index
      %parallel_loop3A_298 = arith.constant 32 : index
      %parallel_loop3A_299 = tpu.vector_load %arg7[%parallel_loop3A_297, %parallel_loop3A_298] {strides = array<i32>} : memref<256x128xf32, #tpu.memory_space<vmem>>, vector<1x16xf32>,
      %parallel_loop3A_300 = vector.shape_cast %parallel_loop3A_299 : vector<1x16xf32> to vector<16xf32>
      %parallel_loop3A_301 = arith.index_cast %parallel_loop3A_272 : i32 to index
      %parallel_loop3A_302 = arith.constant 32 : index
      %parallel_loop3A_303 = tpu.vector_load %arg9[%parallel_loop3A_301, %parallel_loop3A_302] {strides = array<i32>} : memref<128x128xf32, #tpu.memory_space<vmem>>, vector<1x16xf32>,
      %parallel_loop3A_304 = vector.shape_cast %parallel_loop3A_303 : vector<1x16xf32> to vector<16xf32>
      %parallel_loop3A_305 = vector.shape_cast %parallel_loop3A_300 : vector<16xf32> to vector<1x16xf32>
      tpu.vector_store %arg9[%parallel_loop3A_301, %parallel_loop3A_302], %parallel_loop3A_305 {add = true, strides = array<i32>} : memref<128x128xf32, #tpu.memory_space<vmem>>, vector<1x16xf32>,
      %parallel_loop3A_306 = arith.constant 128 : i32
      %parallel_loop3A_307 = arith.addi %parallel_loop3A_306, %parallel_loop3A_272 : i32
      %parallel_loop3A_308 = arith.index_cast %parallel_loop3A_307 : i32 to index
      %parallel_loop3A_309 = arith.constant 48 : index
      %parallel_loop3A_310 = tpu.vector_load %arg7[%parallel_loop3A_308, %parallel_loop3A_309] {strides = array<i32>} : memref<256x128xf32, #tpu.memory_space<vmem>>, vector<1x16xf32>,
      %parallel_loop3A_311 = vector.shape_cast %parallel_loop3A_310 : vector<1x16xf32> to vector<16xf32>
      %parallel_loop3A_312 = arith.index_cast %parallel_loop3A_272 : i32 to index
      %parallel_loop3A_313 = arith.constant 48 : index
      %parallel_loop3A_314 = tpu.vector_load %arg9[%parallel_loop3A_312, %parallel_loop3A_313] {strides = array<i32>} : memref<128x128xf32, #tpu.memory_space<vmem>>, vector<1x16xf32>,
      %parallel_loop3A_315 = vector.shape_cast %parallel_loop3A_314 : vector<1x16xf32> to vector<16xf32>
      %parallel_loop3A_316 = vector.shape_cast %parallel_loop3A_311 : vector<16xf32> to vector<1x16xf32>
      tpu.vector_store %arg9[%parallel_loop3A_312, %parallel_loop3A_313], %parallel_loop3A_316 {add = true, strides = array<i32>} : memref<128x128xf32, #tpu.memory_space<vmem>>, vector<1x16xf32>,
      %parallel_loop3A_317 = arith.constant 128 : i32
      %parallel_loop3A_318 = arith.addi %parallel_loop3A_317, %parallel_loop3A_272 : i32
      %parallel_loop3A_319 = arith.index_cast %parallel_loop3A_318 : i32 to index
      %parallel_loop3A_320 = arith.constant 64 : index
      %parallel_loop3A_321 = tpu.vector_load %arg7[%parallel_loop3A_319, %parallel_loop3A_320] {strides = array<i32>} : memref<256x128xf32, #tpu.memory_space<vmem>>, vector<1x16xf32>,
      %parallel_loop3A_322 = vector.shape_cast %parallel_loop3A_321 : vector<1x16xf32> to vector<16xf32>
      %parallel_loop3A_323 = arith.index_cast %parallel_loop3A_272 : i32 to index
      %parallel_loop3A_324 = arith.constant 64 : index
      %parallel_loop3A_325 = tpu.vector_load %arg9[%parallel_loop3A_323, %parallel_loop3A_324] {strides = array<i32>} : memref<128x128xf32, #tpu.memory_space<vmem>>, vector<1x16xf32>,
      %parallel_loop3A_326 = vector.shape_cast %parallel_loop3A_325 : vector<1x16xf32> to vector<16xf32>
      %parallel_loop3A_327 = vector.shape_cast %parallel_loop3A_322 : vector<16xf32> to vector<1x16xf32>
      tpu.vector_store %arg9[%parallel_loop3A_323, %parallel_loop3A_324], %parallel_loop3A_327 {add = true, strides = array<i32>} : memref<128x128xf32, #tpu.memory_space<vmem>>, vector<1x16xf32>,
      %parallel_loop3A_328 = arith.constant 128 : i32
      %parallel_loop3A_329 = arith.addi %parallel_loop3A_328, %parallel_loop3A_272 : i32
      %parallel_loop3A_330 = arith.index_cast %parallel_loop3A_329 : i32 to index
      %parallel_loop3A_331 = arith.constant 80 : index
      %parallel_loop3A_332 = tpu.vector_load %arg7[%parallel_loop3A_330, %parallel_loop3A_331] {strides = array<i32>} : memref<256x128xf32, #tpu.memory_space<vmem>>, vector<1x16xf32>,
      %parallel_loop3A_333 = vector.shape_cast %parallel_loop3A_332 : vector<1x16xf32> to vector<16xf32>
      %parallel_loop3A_334 = arith.index_cast %parallel_loop3A_272 : i32 to index
      %parallel_loop3A_335 = arith.constant 80 : index
      %parallel_loop3A_336 = tpu.vector_load %arg9[%parallel_loop3A_334, %parallel_loop3A_335] {strides = array<i32>} : memref<128x128xf32, #tpu.memory_space<vmem>>, vector<1x16xf32>,
      %parallel_loop3A_337 = vector.shape_cast %parallel_loop3A_336 : vector<1x16xf32> to vector<16xf32>
      %parallel_loop3A_338 = vector.shape_cast %parallel_loop3A_333 : vector<16xf32> to vector<1x16xf32>
      tpu.vector_store %arg9[%parallel_loop3A_334, %parallel_loop3A_335], %parallel_loop3A_338 {add = true, strides = array<i32>} : memref<128x128xf32, #tpu.memory_space<vmem>>, vector<1x16xf32>,
      %parallel_loop3A_339 = arith.constant 128 : i32
      %parallel_loop3A_340 = arith.addi %parallel_loop3A_339, %parallel_loop3A_272 : i32
      %parallel_loop3A_341 = arith.index_cast %parallel_loop3A_340 : i32 to index
      %parallel_loop3A_342 = arith.constant 96 : index
      %parallel_loop3A_343 = tpu.vector_load %arg7[%parallel_loop3A_341, %parallel_loop3A_342] {strides = array<i32>} : memref<256x128xf32, #tpu.memory_space<vmem>>, vector<1x16xf32>,
      %parallel_loop3A_344 = vector.shape_cast %parallel_loop3A_343 : vector<1x16xf32> to vector<16xf32>
      %parallel_loop3A_345 = arith.index_cast %parallel_loop3A_272 : i32 to index
      %parallel_loop3A_346 = arith.constant 96 : index
      %parallel_loop3A_347 = tpu.vector_load %arg9[%parallel_loop3A_345, %parallel_loop3A_346] {strides = array<i32>} : memref<128x128xf32, #tpu.memory_space<vmem>>, vector<1x16xf32>,
      %parallel_loop3A_348 = vector.shape_cast %parallel_loop3A_347 : vector<1x16xf32> to vector<16xf32>
      %parallel_loop3A_349 = vector.shape_cast %parallel_loop3A_344 : vector<16xf32> to vector<1x16xf32>
      tpu.vector_store %arg9[%parallel_loop3A_345, %parallel_loop3A_346], %parallel_loop3A_349 {add = true, strides = array<i32>} : memref<128x128xf32, #tpu.memory_space<vmem>>, vector<1x16xf32>,
      %parallel_loop3A_350 = arith.constant 128 : i32
      %parallel_loop3A_351 = arith.addi %parallel_loop3A_350, %parallel_loop3A_272 : i32
      %parallel_loop3A_352 = arith.index_cast %parallel_loop3A_351 : i32 to index
      %parallel_loop3A_353 = arith.constant 112 : index
      %parallel_loop3A_354 = tpu.vector_load %arg7[%parallel_loop3A_352, %parallel_loop3A_353] {strides = array<i32>} : memref<256x128xf32, #tpu.memory_space<vmem>>, vector<1x16xf32>,
      %parallel_loop3A_355 = vector.shape_cast %parallel_loop3A_354 : vector<1x16xf32> to vector<16xf32>
      %parallel_loop3A_356 = arith.index_cast %parallel_loop3A_272 : i32 to index
      %parallel_loop3A_357 = arith.constant 112 : index
      %parallel_loop3A_358 = tpu.vector_load %arg9[%parallel_loop3A_356, %parallel_loop3A_357] {strides = array<i32>} : memref<128x128xf32, #tpu.memory_space<vmem>>, vector<1x16xf32>,
      %parallel_loop3A_359 = vector.shape_cast %parallel_loop3A_358 : vector<1x16xf32> to vector<16xf32>
      %parallel_loop3A_360 = vector.shape_cast %parallel_loop3A_355 : vector<16xf32> to vector<1x16xf32>
      tpu.vector_store %arg9[%parallel_loop3A_356, %parallel_loop3A_357], %parallel_loop3A_360 {add = true, strides = array<i32>} : memref<128x128xf32, #tpu.memory_space<vmem>>, vector<1x16xf32>,
    } {sc.loop_unroll_factor = 1 : i64, sc.parallel_access}
    %add3A_72 = arith.constant 128 : i32
    %add3A_73 = arith.addi %mul3A_2, %add3A_72 : i32
    %dma_start3A_74 = arith.constant 0 : i32
    %dma_start3A_75 = arith.constant 0 : i32
    %dma_start3A_76 = tpu.memref_slice %arg5[%dma_start3A_74, %add3A_73, %dma_start3A_75] : memref<4x8192x128xf32, #tpu.memory_space<hbm>> -> memref<1x128x128xf32, #tpu.memory_space<hbm>>
    %dma_start3A_77 = tpu.memref_squeeze %dma_start3A_76 : memref<1x128x128xf32, #tpu.memory_space<hbm>> -> memref<128x128xf32, #tpu.memory_space<hbm>>
    %dma_start3A_78 = arith.constant 0 : i32
    %dma_start3A_79 = tpu.memref_slice %arg5[%dma_start3A_74, %add3A_73, %dma_start3A_78] : memref<4x8192x128xf32, #tpu.memory_space<hbm>> -> memref<1x128x128xf32, #tpu.memory_space<hbm>>
    %dma_start3A_80 = tpu.memref_squeeze %dma_start3A_79 : memref<1x128x128xf32, #tpu.memory_space<hbm>> -> memref<128x128xf32, #tpu.memory_space<hbm>>
    tpu.enqueue_dma source(%arg9 : memref<128x128xf32, #tpu.memory_space<vmem>>) target(%dma_start3A_80 : memref<128x128xf32, #tpu.memory_space<hbm>>) target_semaphore(%arg20 : memref<!tpu.dma_semaphore, #tpu.memory_space<semaphore_mem>>)
    %dma_wait3A_81 = arith.constant 1 : i32
    %dma_wait3A_82 = arith.constant 0 : i32
    %dma_wait3A_83 = tpu.memref_slice %arg6[%dma_wait3A_81, %dma_wait3A_82] : memref<4x256xi32, #tpu.memory_space<vmem>> -> memref<1x128xi32, #tpu.memory_space<vmem>>
    %dma_wait3A_84 = tpu.memref_squeeze %dma_wait3A_83 : memref<1x128xi32, #tpu.memory_space<vmem>> -> memref<128xi32, #tpu.memory_space<vmem>>
    %dma_wait3A_85 = arith.constant 0 : i32
    %dma_wait3A_86 = arith.constant 0 : i32
    %dma_wait3A_87 = tpu.memref_slice %arg3[%dma_wait3A_85, %dma_wait3A_86] : memref<100000x128xf32, #tpu.memory_space<hbm>> -> memref<100000x128xf32, #tpu.memory_space<hbm>>
    tpu.wait_indirect_dma semaphore(%arg16 : memref<!tpu.dma_semaphore, #tpu.memory_space<semaphore_mem>>) src(%dma_wait3A_87 : memref<100000x128xf32, #tpu.memory_space<hbm>>) dst(%arg10 : memref<128x128xf32, #tpu.memory_space<vmem>>)
    %dma_wait3A_88 = arith.constant 0 : i32
    %dma_wait3A_89 = arith.constant 0 : i32
    %dma_wait3A_90 = tpu.memref_slice %arg5[%dma_wait3A_88, %add3A_54, %dma_wait3A_89] : memref<4x8192x128xf32, #tpu.memory_space<hbm>> -> memref<1x128x128xf32, #tpu.memory_space<hbm>>
    %dma_wait3A_91 = tpu.memref_squeeze %dma_wait3A_90 : memref<1x128x128xf32, #tpu.memory_space<hbm>> -> memref<128x128xf32, #tpu.memory_space<hbm>>
    %dma_wait3A_92 = arith.constant 0 : i32
    %dma_wait3A_93 = tpu.memref_slice %arg5[%dma_wait3A_88, %add3A_54, %dma_wait3A_92] : memref<4x8192x128xf32, #tpu.memory_space<hbm>> -> memref<1x128x128xf32, #tpu.memory_space<hbm>>
    %dma_wait3A_94 = tpu.memref_squeeze %dma_wait3A_93 : memref<1x128x128xf32, #tpu.memory_space<hbm>> -> memref<128x128xf32, #tpu.memory_space<hbm>>
    tpu.wait_dma2 semaphore(%arg19 : memref<!tpu.dma_semaphore, #tpu.memory_space<semaphore_mem>>) src(%arg8 : memref<128x128xf32, #tpu.memory_space<vmem>>) dst(%dma_wait3A_94 : memref<128x128xf32, #tpu.memory_space<hbm>>)
    %dma_start3A_95 = arith.constant 2 : i32
    %dma_start3A_96 = arith.constant 128 : i32
    %dma_start3A_97 = tpu.memref_slice %arg6[%dma_start3A_95, %dma_start3A_96] : memref<4x256xi32, #tpu.memory_space<vmem>> -> memref<1x128xi32, #tpu.memory_space<vmem>>
    %dma_start3A_98 = tpu.memref_squeeze %dma_start3A_97 : memref<1x128xi32, #tpu.memory_space<vmem>> -> memref<128xi32, #tpu.memory_space<vmem>>
    %dma_start3A_99 = arith.constant 0 : i32
    %dma_start3A_100 = arith.constant 0 : i32
    %dma_start3A_101 = tpu.memref_slice %arg3[%dma_start3A_99, %dma_start3A_100] : memref<100000x128xf32, #tpu.memory_space<hbm>> -> memref<100000x128xf32, #tpu.memory_space<hbm>>
    tpu.enqueue_indirect_dma source(%dma_start3A_101 : memref<100000x128xf32, #tpu.memory_space<hbm>>) target(%arg8 : memref<128x128xf32, #tpu.memory_space<vmem>>) offsets(%dma_start3A_98 : memref<128xi32, #tpu.memory_space<vmem>>) semaphore(%arg14 : memref<!tpu.dma_semaphore, #tpu.memory_space<semaphore_mem>>)
    %parallel_loop3A_102 = arith.constant 0 : i32
    %parallel_loop3A_103 = arith.constant 128 : i32
    %parallel_loop3A_104 = arith.constant 1 : i32
    scf.for %parallel_loop3A_272 = %parallel_loop3A_102 to %parallel_loop3A_103 step %parallel_loop3A_104  : i32 {
      %parallel_loop3A_273 = arith.constant 0 : i32
      %parallel_loop3A_274 = arith.addi %parallel_loop3A_273, %parallel_loop3A_272 : i32
      %parallel_loop3A_275 = arith.index_cast %parallel_loop3A_274 : i32 to index
      %parallel_loop3A_276 = arith.constant 0 : index
      %parallel_loop3A_277 = tpu.vector_load %arg7[%parallel_loop3A_275, %parallel_loop3A_276] {strides = array<i32>} : memref<256x128xf32, #tpu.memory_space<vmem>>, vector<1x16xf32>,
      %parallel_loop3A_278 = vector.shape_cast %parallel_loop3A_277 : vector<1x16xf32> to vector<16xf32>
      %parallel_loop3A_279 = arith.index_cast %parallel_loop3A_272 : i32 to index
      %parallel_loop3A_280 = arith.constant 0 : index
      %parallel_loop3A_281 = tpu.vector_load %arg10[%parallel_loop3A_279, %parallel_loop3A_280] {strides = array<i32>} : memref<128x128xf32, #tpu.memory_space<vmem>>, vector<1x16xf32>,
      %parallel_loop3A_282 = vector.shape_cast %parallel_loop3A_281 : vector<1x16xf32> to vector<16xf32>
      %parallel_loop3A_283 = vector.shape_cast %parallel_loop3A_278 : vector<16xf32> to vector<1x16xf32>
      tpu.vector_store %arg10[%parallel_loop3A_279, %parallel_loop3A_280], %parallel_loop3A_283 {add = true, strides = array<i32>} : memref<128x128xf32, #tpu.memory_space<vmem>>, vector<1x16xf32>,
      %parallel_loop3A_284 = arith.constant 0 : i32
      %parallel_loop3A_285 = arith.addi %parallel_loop3A_284, %parallel_loop3A_272 : i32
      %parallel_loop3A_286 = arith.index_cast %parallel_loop3A_285 : i32 to index
      %parallel_loop3A_287 = arith.constant 16 : index
      %parallel_loop3A_288 = tpu.vector_load %arg7[%parallel_loop3A_286, %parallel_loop3A_287] {strides = array<i32>} : memref<256x128xf32, #tpu.memory_space<vmem>>, vector<1x16xf32>,
      %parallel_loop3A_289 = vector.shape_cast %parallel_loop3A_288 : vector<1x16xf32> to vector<16xf32>
      %parallel_loop3A_290 = arith.index_cast %parallel_loop3A_272 : i32 to index
      %parallel_loop3A_291 = arith.constant 16 : index
      %parallel_loop3A_292 = tpu.vector_load %arg10[%parallel_loop3A_290, %parallel_loop3A_291] {strides = array<i32>} : memref<128x128xf32, #tpu.memory_space<vmem>>, vector<1x16xf32>,
      %parallel_loop3A_293 = vector.shape_cast %parallel_loop3A_292 : vector<1x16xf32> to vector<16xf32>
      %parallel_loop3A_294 = vector.shape_cast %parallel_loop3A_289 : vector<16xf32> to vector<1x16xf32>
      tpu.vector_store %arg10[%parallel_loop3A_290, %parallel_loop3A_291], %parallel_loop3A_294 {add = true, strides = array<i32>} : memref<128x128xf32, #tpu.memory_space<vmem>>, vector<1x16xf32>,
      %parallel_loop3A_295 = arith.constant 0 : i32
      %parallel_loop3A_296 = arith.addi %parallel_loop3A_295, %parallel_loop3A_272 : i32
      %parallel_loop3A_297 = arith.index_cast %parallel_loop3A_296 : i32 to index
      %parallel_loop3A_298 = arith.constant 32 : index
      %parallel_loop3A_299 = tpu.vector_load %arg7[%parallel_loop3A_297, %parallel_loop3A_298] {strides = array<i32>} : memref<256x128xf32, #tpu.memory_space<vmem>>, vector<1x16xf32>,
      %parallel_loop3A_300 = vector.shape_cast %parallel_loop3A_299 : vector<1x16xf32> to vector<16xf32>
      %parallel_loop3A_301 = arith.index_cast %parallel_loop3A_272 : i32 to index
      %parallel_loop3A_302 = arith.constant 32 : index
      %parallel_loop3A_303 = tpu.vector_load %arg10[%parallel_loop3A_301, %parallel_loop3A_302] {strides = array<i32>} : memref<128x128xf32, #tpu.memory_space<vmem>>, vector<1x16xf32>,
      %parallel_loop3A_304 = vector.shape_cast %parallel_loop3A_303 : vector<1x16xf32> to vector<16xf32>
      %parallel_loop3A_305 = vector.shape_cast %parallel_loop3A_300 : vector<16xf32> to vector<1x16xf32>
      tpu.vector_store %arg10[%parallel_loop3A_301, %parallel_loop3A_302], %parallel_loop3A_305 {add = true, strides = array<i32>} : memref<128x128xf32, #tpu.memory_space<vmem>>, vector<1x16xf32>,
      %parallel_loop3A_306 = arith.constant 0 : i32
      %parallel_loop3A_307 = arith.addi %parallel_loop3A_306, %parallel_loop3A_272 : i32
      %parallel_loop3A_308 = arith.index_cast %parallel_loop3A_307 : i32 to index
      %parallel_loop3A_309 = arith.constant 48 : index
      %parallel_loop3A_310 = tpu.vector_load %arg7[%parallel_loop3A_308, %parallel_loop3A_309] {strides = array<i32>} : memref<256x128xf32, #tpu.memory_space<vmem>>, vector<1x16xf32>,
      %parallel_loop3A_311 = vector.shape_cast %parallel_loop3A_310 : vector<1x16xf32> to vector<16xf32>
      %parallel_loop3A_312 = arith.index_cast %parallel_loop3A_272 : i32 to index
      %parallel_loop3A_313 = arith.constant 48 : index
      %parallel_loop3A_314 = tpu.vector_load %arg10[%parallel_loop3A_312, %parallel_loop3A_313] {strides = array<i32>} : memref<128x128xf32, #tpu.memory_space<vmem>>, vector<1x16xf32>,
      %parallel_loop3A_315 = vector.shape_cast %parallel_loop3A_314 : vector<1x16xf32> to vector<16xf32>
      %parallel_loop3A_316 = vector.shape_cast %parallel_loop3A_311 : vector<16xf32> to vector<1x16xf32>
      tpu.vector_store %arg10[%parallel_loop3A_312, %parallel_loop3A_313], %parallel_loop3A_316 {add = true, strides = array<i32>} : memref<128x128xf32, #tpu.memory_space<vmem>>, vector<1x16xf32>,
      %parallel_loop3A_317 = arith.constant 0 : i32
      %parallel_loop3A_318 = arith.addi %parallel_loop3A_317, %parallel_loop3A_272 : i32
      %parallel_loop3A_319 = arith.index_cast %parallel_loop3A_318 : i32 to index
      %parallel_loop3A_320 = arith.constant 64 : index
      %parallel_loop3A_321 = tpu.vector_load %arg7[%parallel_loop3A_319, %parallel_loop3A_320] {strides = array<i32>} : memref<256x128xf32, #tpu.memory_space<vmem>>, vector<1x16xf32>,
      %parallel_loop3A_322 = vector.shape_cast %parallel_loop3A_321 : vector<1x16xf32> to vector<16xf32>
      %parallel_loop3A_323 = arith.index_cast %parallel_loop3A_272 : i32 to index
      %parallel_loop3A_324 = arith.constant 64 : index
      %parallel_loop3A_325 = tpu.vector_load %arg10[%parallel_loop3A_323, %parallel_loop3A_324] {strides = array<i32>} : memref<128x128xf32, #tpu.memory_space<vmem>>, vector<1x16xf32>,
      %parallel_loop3A_326 = vector.shape_cast %parallel_loop3A_325 : vector<1x16xf32> to vector<16xf32>
      %parallel_loop3A_327 = vector.shape_cast %parallel_loop3A_322 : vector<16xf32> to vector<1x16xf32>
      tpu.vector_store %arg10[%parallel_loop3A_323, %parallel_loop3A_324], %parallel_loop3A_327 {add = true, strides = array<i32>} : memref<128x128xf32, #tpu.memory_space<vmem>>, vector<1x16xf32>,
      %parallel_loop3A_328 = arith.constant 0 : i32
      %parallel_loop3A_329 = arith.addi %parallel_loop3A_328, %parallel_loop3A_272 : i32
      %parallel_loop3A_330 = arith.index_cast %parallel_loop3A_329 : i32 to index
      %parallel_loop3A_331 = arith.constant 80 : index
      %parallel_loop3A_332 = tpu.vector_load %arg7[%parallel_loop3A_330, %parallel_loop3A_331] {strides = array<i32>} : memref<256x128xf32, #tpu.memory_space<vmem>>, vector<1x16xf32>,
      %parallel_loop3A_333 = vector.shape_cast %parallel_loop3A_332 : vector<1x16xf32> to vector<16xf32>
      %parallel_loop3A_334 = arith.index_cast %parallel_loop3A_272 : i32 to index
      %parallel_loop3A_335 = arith.constant 80 : index
      %parallel_loop3A_336 = tpu.vector_load %arg10[%parallel_loop3A_334, %parallel_loop3A_335] {strides = array<i32>} : memref<128x128xf32, #tpu.memory_space<vmem>>, vector<1x16xf32>,
      %parallel_loop3A_337 = vector.shape_cast %parallel_loop3A_336 : vector<1x16xf32> to vector<16xf32>
      %parallel_loop3A_338 = vector.shape_cast %parallel_loop3A_333 : vector<16xf32> to vector<1x16xf32>
      tpu.vector_store %arg10[%parallel_loop3A_334, %parallel_loop3A_335], %parallel_loop3A_338 {add = true, strides = array<i32>} : memref<128x128xf32, #tpu.memory_space<vmem>>, vector<1x16xf32>,
      %parallel_loop3A_339 = arith.constant 0 : i32
      %parallel_loop3A_340 = arith.addi %parallel_loop3A_339, %parallel_loop3A_272 : i32
      %parallel_loop3A_341 = arith.index_cast %parallel_loop3A_340 : i32 to index
      %parallel_loop3A_342 = arith.constant 96 : index
      %parallel_loop3A_343 = tpu.vector_load %arg7[%parallel_loop3A_341, %parallel_loop3A_342] {strides = array<i32>} : memref<256x128xf32, #tpu.memory_space<vmem>>, vector<1x16xf32>,
      %parallel_loop3A_344 = vector.shape_cast %parallel_loop3A_343 : vector<1x16xf32> to vector<16xf32>
      %parallel_loop3A_345 = arith.index_cast %parallel_loop3A_272 : i32 to index
      %parallel_loop3A_346 = arith.constant 96 : index
      %parallel_loop3A_347 = tpu.vector_load %arg10[%parallel_loop3A_345, %parallel_loop3A_346] {strides = array<i32>} : memref<128x128xf32, #tpu.memory_space<vmem>>, vector<1x16xf32>,
      %parallel_loop3A_348 = vector.shape_cast %parallel_loop3A_347 : vector<1x16xf32> to vector<16xf32>
      %parallel_loop3A_349 = vector.shape_cast %parallel_loop3A_344 : vector<16xf32> to vector<1x16xf32>
      tpu.vector_store %arg10[%parallel_loop3A_345, %parallel_loop3A_346], %parallel_loop3A_349 {add = true, strides = array<i32>} : memref<128x128xf32, #tpu.memory_space<vmem>>, vector<1x16xf32>,
      %parallel_loop3A_350 = arith.constant 0 : i32
      %parallel_loop3A_351 = arith.addi %parallel_loop3A_350, %parallel_loop3A_272 : i32
      %parallel_loop3A_352 = arith.index_cast %parallel_loop3A_351 : i32 to index
      %parallel_loop3A_353 = arith.constant 112 : index
      %parallel_loop3A_354 = tpu.vector_load %arg7[%parallel_loop3A_352, %parallel_loop3A_353] {strides = array<i32>} : memref<256x128xf32, #tpu.memory_space<vmem>>, vector<1x16xf32>,
      %parallel_loop3A_355 = vector.shape_cast %parallel_loop3A_354 : vector<1x16xf32> to vector<16xf32>
      %parallel_loop3A_356 = arith.index_cast %parallel_loop3A_272 : i32 to index
      %parallel_loop3A_357 = arith.constant 112 : index
      %parallel_loop3A_358 = tpu.vector_load %arg10[%parallel_loop3A_356, %parallel_loop3A_357] {strides = array<i32>} : memref<128x128xf32, #tpu.memory_space<vmem>>, vector<1x16xf32>,
      %parallel_loop3A_359 = vector.shape_cast %parallel_loop3A_358 : vector<1x16xf32> to vector<16xf32>
      %parallel_loop3A_360 = vector.shape_cast %parallel_loop3A_355 : vector<16xf32> to vector<1x16xf32>
      tpu.vector_store %arg10[%parallel_loop3A_356, %parallel_loop3A_357], %parallel_loop3A_360 {add = true, strides = array<i32>} : memref<128x128xf32, #tpu.memory_space<vmem>>, vector<1x16xf32>,
    } {sc.loop_unroll_factor = 1 : i64, sc.parallel_access}
    %add3A_105 = arith.constant 0 : i32
    %add3A_106 = arith.addi %mul3A_2, %add3A_105 : i32
    %dma_start3A_107 = arith.constant 1 : i32
    %dma_start3A_108 = arith.constant 0 : i32
    %dma_start3A_109 = tpu.memref_slice %arg5[%dma_start3A_107, %add3A_106, %dma_start3A_108] : memref<4x8192x128xf32, #tpu.memory_space<hbm>> -> memref<1x128x128xf32, #tpu.memory_space<hbm>>
    %dma_start3A_110 = tpu.memref_squeeze %dma_start3A_109 : memref<1x128x128xf32, #tpu.memory_space<hbm>> -> memref<128x128xf32, #tpu.memory_space<hbm>>
    %dma_start3A_111 = arith.constant 0 : i32
    %dma_start3A_112 = tpu.memref_slice %arg5[%dma_start3A_107, %add3A_106, %dma_start3A_111] : memref<4x8192x128xf32, #tpu.memory_space<hbm>> -> memref<1x128x128xf32, #tpu.memory_space<hbm>>
    %dma_start3A_113 = tpu.memref_squeeze %dma_start3A_112 : memref<1x128x128xf32, #tpu.memory_space<hbm>> -> memref<128x128xf32, #tpu.memory_space<hbm>>
    tpu.enqueue_dma source(%arg10 : memref<128x128xf32, #tpu.memory_space<vmem>>) target(%dma_start3A_113 : memref<128x128xf32, #tpu.memory_space<hbm>>) target_semaphore(%arg21 : memref<!tpu.dma_semaphore, #tpu.memory_space<semaphore_mem>>)
    %dma_wait3A_114 = arith.constant 1 : i32
    %dma_wait3A_115 = arith.constant 128 : i32
    %dma_wait3A_116 = tpu.memref_slice %arg6[%dma_wait3A_114, %dma_wait3A_115] : memref<4x256xi32, #tpu.memory_space<vmem>> -> memref<1x128xi32, #tpu.memory_space<vmem>>
    %dma_wait3A_117 = tpu.memref_squeeze %dma_wait3A_116 : memref<1x128xi32, #tpu.memory_space<vmem>> -> memref<128xi32, #tpu.memory_space<vmem>>
    %dma_wait3A_118 = arith.constant 0 : i32
    %dma_wait3A_119 = arith.constant 0 : i32
    %dma_wait3A_120 = tpu.memref_slice %arg3[%dma_wait3A_118, %dma_wait3A_119] : memref<100000x128xf32, #tpu.memory_space<hbm>> -> memref<100000x128xf32, #tpu.memory_space<hbm>>
    tpu.wait_indirect_dma semaphore(%arg17 : memref<!tpu.dma_semaphore, #tpu.memory_space<semaphore_mem>>) src(%dma_wait3A_120 : memref<100000x128xf32, #tpu.memory_space<hbm>>) dst(%arg11 : memref<128x128xf32, #tpu.memory_space<vmem>>)
    %dma_wait3A_121 = arith.constant 0 : i32
    %dma_wait3A_122 = arith.constant 0 : i32
    %dma_wait3A_123 = tpu.memref_slice %arg5[%dma_wait3A_121, %add3A_73, %dma_wait3A_122] : memref<4x8192x128xf32, #tpu.memory_space<hbm>> -> memref<1x128x128xf32, #tpu.memory_space<hbm>>
    %dma_wait3A_124 = tpu.memref_squeeze %dma_wait3A_123 : memref<1x128x128xf32, #tpu.memory_space<hbm>> -> memref<128x128xf32, #tpu.memory_space<hbm>>
    %dma_wait3A_125 = arith.constant 0 : i32
    %dma_wait3A_126 = tpu.memref_slice %arg5[%dma_wait3A_121, %add3A_73, %dma_wait3A_125] : memref<4x8192x128xf32, #tpu.memory_space<hbm>> -> memref<1x128x128xf32, #tpu.memory_space<hbm>>
    %dma_wait3A_127 = tpu.memref_squeeze %dma_wait3A_126 : memref<1x128x128xf32, #tpu.memory_space<hbm>> -> memref<128x128xf32, #tpu.memory_space<hbm>>
    tpu.wait_dma2 semaphore(%arg20 : memref<!tpu.dma_semaphore, #tpu.memory_space<semaphore_mem>>) src(%arg9 : memref<128x128xf32, #tpu.memory_space<vmem>>) dst(%dma_wait3A_127 : memref<128x128xf32, #tpu.memory_space<hbm>>)
    %dma_start3A_128 = arith.constant 3 : i32
    %dma_start3A_129 = arith.constant 0 : i32
    %dma_start3A_130 = tpu.memref_slice %arg6[%dma_start3A_128, %dma_start3A_129] : memref<4x256xi32, #tpu.memory_space<vmem>> -> memref<1x128xi32, #tpu.memory_space<vmem>>
    %dma_start3A_131 = tpu.memref_squeeze %dma_start3A_130 : memref<1x128xi32, #tpu.memory_space<vmem>> -> memref<128xi32, #tpu.memory_space<vmem>>
    %dma_start3A_132 = arith.constant 0 : i32
    %dma_start3A_133 = arith.constant 0 : i32
    %dma_start3A_134 = tpu.memref_slice %arg3[%dma_start3A_132, %dma_start3A_133] : memref<100000x128xf32, #tpu.memory_space<hbm>> -> memref<100000x128xf32, #tpu.memory_space<hbm>>
    tpu.enqueue_indirect_dma source(%dma_start3A_134 : memref<100000x128xf32, #tpu.memory_space<hbm>>) target(%arg9 : memref<128x128xf32, #tpu.memory_space<vmem>>) offsets(%dma_start3A_131 : memref<128xi32, #tpu.memory_space<vmem>>) semaphore(%arg15 : memref<!tpu.dma_semaphore, #tpu.memory_space<semaphore_mem>>)
    %parallel_loop3A_135 = arith.constant 0 : i32
    %parallel_loop3A_136 = arith.constant 128 : i32
    %parallel_loop3A_137 = arith.constant 1 : i32
    scf.for %parallel_loop3A_272 = %parallel_loop3A_135 to %parallel_loop3A_136 step %parallel_loop3A_137  : i32 {
      %parallel_loop3A_273 = arith.constant 128 : i32
      %parallel_loop3A_274 = arith.addi %parallel_loop3A_273, %parallel_loop3A_272 : i32
      %parallel_loop3A_275 = arith.index_cast %parallel_loop3A_274 : i32 to index
      %parallel_loop3A_276 = arith.constant 0 : index
      %parallel_loop3A_277 = tpu.vector_load %arg7[%parallel_loop3A_275, %parallel_loop3A_276] {strides = array<i32>} : memref<256x128xf32, #tpu.memory_space<vmem>>, vector<1x16xf32>,
      %parallel_loop3A_278 = vector.shape_cast %parallel_loop3A_277 : vector<1x16xf32> to vector<16xf32>
      %parallel_loop3A_279 = arith.index_cast %parallel_loop3A_272 : i32 to index
      %parallel_loop3A_280 = arith.constant 0 : index
      %parallel_loop3A_281 = tpu.vector_load %arg11[%parallel_loop3A_279, %parallel_loop3A_280] {strides = array<i32>} : memref<128x128xf32, #tpu.memory_space<vmem>>, vector<1x16xf32>,
      %parallel_loop3A_282 = vector.shape_cast %parallel_loop3A_281 : vector<1x16xf32> to vector<16xf32>
      %parallel_loop3A_283 = vector.shape_cast %parallel_loop3A_278 : vector<16xf32> to vector<1x16xf32>
      tpu.vector_store %arg11[%parallel_loop3A_279, %parallel_loop3A_280], %parallel_loop3A_283 {add = true, strides = array<i32>} : memref<128x128xf32, #tpu.memory_space<vmem>>, vector<1x16xf32>,
      %parallel_loop3A_284 = arith.constant 128 : i32
      %parallel_loop3A_285 = arith.addi %parallel_loop3A_284, %parallel_loop3A_272 : i32
      %parallel_loop3A_286 = arith.index_cast %parallel_loop3A_285 : i32 to index
      %parallel_loop3A_287 = arith.constant 16 : index
      %parallel_loop3A_288 = tpu.vector_load %arg7[%parallel_loop3A_286, %parallel_loop3A_287] {strides = array<i32>} : memref<256x128xf32, #tpu.memory_space<vmem>>, vector<1x16xf32>,
      %parallel_loop3A_289 = vector.shape_cast %parallel_loop3A_288 : vector<1x16xf32> to vector<16xf32>
      %parallel_loop3A_290 = arith.index_cast %parallel_loop3A_272 : i32 to index
      %parallel_loop3A_291 = arith.constant 16 : index
      %parallel_loop3A_292 = tpu.vector_load %arg11[%parallel_loop3A_290, %parallel_loop3A_291] {strides = array<i32>} : memref<128x128xf32, #tpu.memory_space<vmem>>, vector<1x16xf32>,
      %parallel_loop3A_293 = vector.shape_cast %parallel_loop3A_292 : vector<1x16xf32> to vector<16xf32>
      %parallel_loop3A_294 = vector.shape_cast %parallel_loop3A_289 : vector<16xf32> to vector<1x16xf32>
      tpu.vector_store %arg11[%parallel_loop3A_290, %parallel_loop3A_291], %parallel_loop3A_294 {add = true, strides = array<i32>} : memref<128x128xf32, #tpu.memory_space<vmem>>, vector<1x16xf32>,
      %parallel_loop3A_295 = arith.constant 128 : i32
      %parallel_loop3A_296 = arith.addi %parallel_loop3A_295, %parallel_loop3A_272 : i32
      %parallel_loop3A_297 = arith.index_cast %parallel_loop3A_296 : i32 to index
      %parallel_loop3A_298 = arith.constant 32 : index
      %parallel_loop3A_299 = tpu.vector_load %arg7[%parallel_loop3A_297, %parallel_loop3A_298] {strides = array<i32>} : memref<256x128xf32, #tpu.memory_space<vmem>>, vector<1x16xf32>,
      %parallel_loop3A_300 = vector.shape_cast %parallel_loop3A_299 : vector<1x16xf32> to vector<16xf32>
      %parallel_loop3A_301 = arith.index_cast %parallel_loop3A_272 : i32 to index
      %parallel_loop3A_302 = arith.constant 32 : index
      %parallel_loop3A_303 = tpu.vector_load %arg11[%parallel_loop3A_301, %parallel_loop3A_302] {strides = array<i32>} : memref<128x128xf32, #tpu.memory_space<vmem>>, vector<1x16xf32>,
      %parallel_loop3A_304 = vector.shape_cast %parallel_loop3A_303 : vector<1x16xf32> to vector<16xf32>
      %parallel_loop3A_305 = vector.shape_cast %parallel_loop3A_300 : vector<16xf32> to vector<1x16xf32>
      tpu.vector_store %arg11[%parallel_loop3A_301, %parallel_loop3A_302], %parallel_loop3A_305 {add = true, strides = array<i32>} : memref<128x128xf32, #tpu.memory_space<vmem>>, vector<1x16xf32>,
      %parallel_loop3A_306 = arith.constant 128 : i32
      %parallel_loop3A_307 = arith.addi %parallel_loop3A_306, %parallel_loop3A_272 : i32
      %parallel_loop3A_308 = arith.index_cast %parallel_loop3A_307 : i32 to index
      %parallel_loop3A_309 = arith.constant 48 : index
      %parallel_loop3A_310 = tpu.vector_load %arg7[%parallel_loop3A_308, %parallel_loop3A_309] {strides = array<i32>} : memref<256x128xf32, #tpu.memory_space<vmem>>, vector<1x16xf32>,
      %parallel_loop3A_311 = vector.shape_cast %parallel_loop3A_310 : vector<1x16xf32> to vector<16xf32>
      %parallel_loop3A_312 = arith.index_cast %parallel_loop3A_272 : i32 to index
      %parallel_loop3A_313 = arith.constant 48 : index
      %parallel_loop3A_314 = tpu.vector_load %arg11[%parallel_loop3A_312, %parallel_loop3A_313] {strides = array<i32>} : memref<128x128xf32, #tpu.memory_space<vmem>>, vector<1x16xf32>,
      %parallel_loop3A_315 = vector.shape_cast %parallel_loop3A_314 : vector<1x16xf32> to vector<16xf32>
      %parallel_loop3A_316 = vector.shape_cast %parallel_loop3A_311 : vector<16xf32> to vector<1x16xf32>
      tpu.vector_store %arg11[%parallel_loop3A_312, %parallel_loop3A_313], %parallel_loop3A_316 {add = true, strides = array<i32>} : memref<128x128xf32, #tpu.memory_space<vmem>>, vector<1x16xf32>,
      %parallel_loop3A_317 = arith.constant 128 : i32
      %parallel_loop3A_318 = arith.addi %parallel_loop3A_317, %parallel_loop3A_272 : i32
      %parallel_loop3A_319 = arith.index_cast %parallel_loop3A_318 : i32 to index
      %parallel_loop3A_320 = arith.constant 64 : index
      %parallel_loop3A_321 = tpu.vector_load %arg7[%parallel_loop3A_319, %parallel_loop3A_320] {strides = array<i32>} : memref<256x128xf32, #tpu.memory_space<vmem>>, vector<1x16xf32>,
      %parallel_loop3A_322 = vector.shape_cast %parallel_loop3A_321 : vector<1x16xf32> to vector<16xf32>
      %parallel_loop3A_323 = arith.index_cast %parallel_loop3A_272 : i32 to index
      %parallel_loop3A_324 = arith.constant 64 : index
      %parallel_loop3A_325 = tpu.vector_load %arg11[%parallel_loop3A_323, %parallel_loop3A_324] {strides = array<i32>} : memref<128x128xf32, #tpu.memory_space<vmem>>, vector<1x16xf32>,
      %parallel_loop3A_326 = vector.shape_cast %parallel_loop3A_325 : vector<1x16xf32> to vector<16xf32>
      %parallel_loop3A_327 = vector.shape_cast %parallel_loop3A_322 : vector<16xf32> to vector<1x16xf32>
      tpu.vector_store %arg11[%parallel_loop3A_323, %parallel_loop3A_324], %parallel_loop3A_327 {add = true, strides = array<i32>} : memref<128x128xf32, #tpu.memory_space<vmem>>, vector<1x16xf32>,
      %parallel_loop3A_328 = arith.constant 128 : i32
      %parallel_loop3A_329 = arith.addi %parallel_loop3A_328, %parallel_loop3A_272 : i32
      %parallel_loop3A_330 = arith.index_cast %parallel_loop3A_329 : i32 to index
      %parallel_loop3A_331 = arith.constant 80 : index
      %parallel_loop3A_332 = tpu.vector_load %arg7[%parallel_loop3A_330, %parallel_loop3A_331] {strides = array<i32>} : memref<256x128xf32, #tpu.memory_space<vmem>>, vector<1x16xf32>,
      %parallel_loop3A_333 = vector.shape_cast %parallel_loop3A_332 : vector<1x16xf32> to vector<16xf32>
      %parallel_loop3A_334 = arith.index_cast %parallel_loop3A_272 : i32 to index
      %parallel_loop3A_335 = arith.constant 80 : index
      %parallel_loop3A_336 = tpu.vector_load %arg11[%parallel_loop3A_334, %parallel_loop3A_335] {strides = array<i32>} : memref<128x128xf32, #tpu.memory_space<vmem>>, vector<1x16xf32>,
      %parallel_loop3A_337 = vector.shape_cast %parallel_loop3A_336 : vector<1x16xf32> to vector<16xf32>
      %parallel_loop3A_338 = vector.shape_cast %parallel_loop3A_333 : vector<16xf32> to vector<1x16xf32>
      tpu.vector_store %arg11[%parallel_loop3A_334, %parallel_loop3A_335], %parallel_loop3A_338 {add = true, strides = array<i32>} : memref<128x128xf32, #tpu.memory_space<vmem>>, vector<1x16xf32>,
      %parallel_loop3A_339 = arith.constant 128 : i32
      %parallel_loop3A_340 = arith.addi %parallel_loop3A_339, %parallel_loop3A_272 : i32
      %parallel_loop3A_341 = arith.index_cast %parallel_loop3A_340 : i32 to index
      %parallel_loop3A_342 = arith.constant 96 : index
      %parallel_loop3A_343 = tpu.vector_load %arg7[%parallel_loop3A_341, %parallel_loop3A_342] {strides = array<i32>} : memref<256x128xf32, #tpu.memory_space<vmem>>, vector<1x16xf32>,
      %parallel_loop3A_344 = vector.shape_cast %parallel_loop3A_343 : vector<1x16xf32> to vector<16xf32>
      %parallel_loop3A_345 = arith.index_cast %parallel_loop3A_272 : i32 to index
      %parallel_loop3A_346 = arith.constant 96 : index
      %parallel_loop3A_347 = tpu.vector_load %arg11[%parallel_loop3A_345, %parallel_loop3A_346] {strides = array<i32>} : memref<128x128xf32, #tpu.memory_space<vmem>>, vector<1x16xf32>,
      %parallel_loop3A_348 = vector.shape_cast %parallel_loop3A_347 : vector<1x16xf32> to vector<16xf32>
      %parallel_loop3A_349 = vector.shape_cast %parallel_loop3A_344 : vector<16xf32> to vector<1x16xf32>
      tpu.vector_store %arg11[%parallel_loop3A_345, %parallel_loop3A_346], %parallel_loop3A_349 {add = true, strides = array<i32>} : memref<128x128xf32, #tpu.memory_space<vmem>>, vector<1x16xf32>,
      %parallel_loop3A_350 = arith.constant 128 : i32
      %parallel_loop3A_351 = arith.addi %parallel_loop3A_350, %parallel_loop3A_272 : i32
      %parallel_loop3A_352 = arith.index_cast %parallel_loop3A_351 : i32 to index
      %parallel_loop3A_353 = arith.constant 112 : index
      %parallel_loop3A_354 = tpu.vector_load %arg7[%parallel_loop3A_352, %parallel_loop3A_353] {strides = array<i32>} : memref<256x128xf32, #tpu.memory_space<vmem>>, vector<1x16xf32>,
      %parallel_loop3A_355 = vector.shape_cast %parallel_loop3A_354 : vector<1x16xf32> to vector<16xf32>
      %parallel_loop3A_356 = arith.index_cast %parallel_loop3A_272 : i32 to index
      %parallel_loop3A_357 = arith.constant 112 : index
      %parallel_loop3A_358 = tpu.vector_load %arg11[%parallel_loop3A_356, %parallel_loop3A_357] {strides = array<i32>} : memref<128x128xf32, #tpu.memory_space<vmem>>, vector<1x16xf32>,
      %parallel_loop3A_359 = vector.shape_cast %parallel_loop3A_358 : vector<1x16xf32> to vector<16xf32>
      %parallel_loop3A_360 = vector.shape_cast %parallel_loop3A_355 : vector<16xf32> to vector<1x16xf32>
      tpu.vector_store %arg11[%parallel_loop3A_356, %parallel_loop3A_357], %parallel_loop3A_360 {add = true, strides = array<i32>} : memref<128x128xf32, #tpu.memory_space<vmem>>, vector<1x16xf32>,
    } {sc.loop_unroll_factor = 1 : i64, sc.parallel_access}
    %add3A_138 = arith.constant 128 : i32
    %add3A_139 = arith.addi %mul3A_2, %add3A_138 : i32
    %dma_start3A_140 = arith.constant 1 : i32
    %dma_start3A_141 = arith.constant 0 : i32
    %dma_start3A_142 = tpu.memref_slice %arg5[%dma_start3A_140, %add3A_139, %dma_start3A_141] : memref<4x8192x128xf32, #tpu.memory_space<hbm>> -> memref<1x128x128xf32, #tpu.memory_space<hbm>>
    %dma_start3A_143 = tpu.memref_squeeze %dma_start3A_142 : memref<1x128x128xf32, #tpu.memory_space<hbm>> -> memref<128x128xf32, #tpu.memory_space<hbm>>
    %dma_start3A_144 = arith.constant 0 : i32
    %dma_start3A_145 = tpu.memref_slice %arg5[%dma_start3A_140, %add3A_139, %dma_start3A_144] : memref<4x8192x128xf32, #tpu.memory_space<hbm>> -> memref<1x128x128xf32, #tpu.memory_space<hbm>>
    %dma_start3A_146 = tpu.memref_squeeze %dma_start3A_145 : memref<1x128x128xf32, #tpu.memory_space<hbm>> -> memref<128x128xf32, #tpu.memory_space<hbm>>
    tpu.enqueue_dma source(%arg11 : memref<128x128xf32, #tpu.memory_space<vmem>>) target(%dma_start3A_146 : memref<128x128xf32, #tpu.memory_space<hbm>>) target_semaphore(%arg22 : memref<!tpu.dma_semaphore, #tpu.memory_space<semaphore_mem>>)
    %dma_wait3A_147 = arith.constant 2 : i32
    %dma_wait3A_148 = arith.constant 0 : i32
    %dma_wait3A_149 = tpu.memref_slice %arg6[%dma_wait3A_147, %dma_wait3A_148] : memref<4x256xi32, #tpu.memory_space<vmem>> -> memref<1x128xi32, #tpu.memory_space<vmem>>
    %dma_wait3A_150 = tpu.memref_squeeze %dma_wait3A_149 : memref<1x128xi32, #tpu.memory_space<vmem>> -> memref<128xi32, #tpu.memory_space<vmem>>
    %dma_wait3A_151 = arith.constant 0 : i32
    %dma_wait3A_152 = arith.constant 0 : i32
    %dma_wait3A_153 = tpu.memref_slice %arg3[%dma_wait3A_151, %dma_wait3A_152] : memref<100000x128xf32, #tpu.memory_space<hbm>> -> memref<100000x128xf32, #tpu.memory_space<hbm>>
    tpu.wait_indirect_dma semaphore(%arg18 : memref<!tpu.dma_semaphore, #tpu.memory_space<semaphore_mem>>) src(%dma_wait3A_153 : memref<100000x128xf32, #tpu.memory_space<hbm>>) dst(%arg12 : memref<128x128xf32, #tpu.memory_space<vmem>>)
    %dma_wait3A_154 = arith.constant 1 : i32
    %dma_wait3A_155 = arith.constant 0 : i32
    %dma_wait3A_156 = tpu.memref_slice %arg5[%dma_wait3A_154, %add3A_106, %dma_wait3A_155] : memref<4x8192x128xf32, #tpu.memory_space<hbm>> -> memref<1x128x128xf32, #tpu.memory_space<hbm>>
    %dma_wait3A_157 = tpu.memref_squeeze %dma_wait3A_156 : memref<1x128x128xf32, #tpu.memory_space<hbm>> -> memref<128x128xf32, #tpu.memory_space<hbm>>
    %dma_wait3A_158 = arith.constant 0 : i32
    %dma_wait3A_159 = tpu.memref_slice %arg5[%dma_wait3A_154, %add3A_106, %dma_wait3A_158] : memref<4x8192x128xf32, #tpu.memory_space<hbm>> -> memref<1x128x128xf32, #tpu.memory_space<hbm>>
    %dma_wait3A_160 = tpu.memref_squeeze %dma_wait3A_159 : memref<1x128x128xf32, #tpu.memory_space<hbm>> -> memref<128x128xf32, #tpu.memory_space<hbm>>
    tpu.wait_dma2 semaphore(%arg21 : memref<!tpu.dma_semaphore, #tpu.memory_space<semaphore_mem>>) src(%arg10 : memref<128x128xf32, #tpu.memory_space<vmem>>) dst(%dma_wait3A_160 : memref<128x128xf32, #tpu.memory_space<hbm>>)
    %dma_start3A_161 = arith.constant 3 : i32
    %dma_start3A_162 = arith.constant 128 : i32
    %dma_start3A_163 = tpu.memref_slice %arg6[%dma_start3A_161, %dma_start3A_162] : memref<4x256xi32, #tpu.memory_space<vmem>> -> memref<1x128xi32, #tpu.memory_space<vmem>>
    %dma_start3A_164 = tpu.memref_squeeze %dma_start3A_163 : memref<1x128xi32, #tpu.memory_space<vmem>> -> memref<128xi32, #tpu.memory_space<vmem>>
    %dma_start3A_165 = arith.constant 0 : i32
    %dma_start3A_166 = arith.constant 0 : i32
    %dma_start3A_167 = tpu.memref_slice %arg3[%dma_start3A_165, %dma_start3A_166] : memref<100000x128xf32, #tpu.memory_space<hbm>> -> memref<100000x128xf32, #tpu.memory_space<hbm>>
    tpu.enqueue_indirect_dma source(%dma_start3A_167 : memref<100000x128xf32, #tpu.memory_space<hbm>>) target(%arg10 : memref<128x128xf32, #tpu.memory_space<vmem>>) offsets(%dma_start3A_164 : memref<128xi32, #tpu.memory_space<vmem>>) semaphore(%arg16 : memref<!tpu.dma_semaphore, #tpu.memory_space<semaphore_mem>>)
    %parallel_loop3A_168 = arith.constant 0 : i32
    %parallel_loop3A_169 = arith.constant 128 : i32
    %parallel_loop3A_170 = arith.constant 1 : i32
    scf.for %parallel_loop3A_272 = %parallel_loop3A_168 to %parallel_loop3A_169 step %parallel_loop3A_170  : i32 {
      %parallel_loop3A_273 = arith.constant 0 : i32
      %parallel_loop3A_274 = arith.addi %parallel_loop3A_273, %parallel_loop3A_272 : i32
      %parallel_loop3A_275 = arith.index_cast %parallel_loop3A_274 : i32 to index
      %parallel_loop3A_276 = arith.constant 0 : index
      %parallel_loop3A_277 = tpu.vector_load %arg7[%parallel_loop3A_275, %parallel_loop3A_276] {strides = array<i32>} : memref<256x128xf32, #tpu.memory_space<vmem>>, vector<1x16xf32>,
      %parallel_loop3A_278 = vector.shape_cast %parallel_loop3A_277 : vector<1x16xf32> to vector<16xf32>
      %parallel_loop3A_279 = arith.index_cast %parallel_loop3A_272 : i32 to index
      %parallel_loop3A_280 = arith.constant 0 : index
      %parallel_loop3A_281 = tpu.vector_load %arg12[%parallel_loop3A_279, %parallel_loop3A_280] {strides = array<i32>} : memref<128x128xf32, #tpu.memory_space<vmem>>, vector<1x16xf32>,
      %parallel_loop3A_282 = vector.shape_cast %parallel_loop3A_281 : vector<1x16xf32> to vector<16xf32>
      %parallel_loop3A_283 = vector.shape_cast %parallel_loop3A_278 : vector<16xf32> to vector<1x16xf32>
      tpu.vector_store %arg12[%parallel_loop3A_279, %parallel_loop3A_280], %parallel_loop3A_283 {add = true, strides = array<i32>} : memref<128x128xf32, #tpu.memory_space<vmem>>, vector<1x16xf32>,
      %parallel_loop3A_284 = arith.constant 0 : i32
      %parallel_loop3A_285 = arith.addi %parallel_loop3A_284, %parallel_loop3A_272 : i32
      %parallel_loop3A_286 = arith.index_cast %parallel_loop3A_285 : i32 to index
      %parallel_loop3A_287 = arith.constant 16 : index
      %parallel_loop3A_288 = tpu.vector_load %arg7[%parallel_loop3A_286, %parallel_loop3A_287] {strides = array<i32>} : memref<256x128xf32, #tpu.memory_space<vmem>>, vector<1x16xf32>,
      %parallel_loop3A_289 = vector.shape_cast %parallel_loop3A_288 : vector<1x16xf32> to vector<16xf32>
      %parallel_loop3A_290 = arith.index_cast %parallel_loop3A_272 : i32 to index
      %parallel_loop3A_291 = arith.constant 16 : index
      %parallel_loop3A_292 = tpu.vector_load %arg12[%parallel_loop3A_290, %parallel_loop3A_291] {strides = array<i32>} : memref<128x128xf32, #tpu.memory_space<vmem>>, vector<1x16xf32>,
      %parallel_loop3A_293 = vector.shape_cast %parallel_loop3A_292 : vector<1x16xf32> to vector<16xf32>
      %parallel_loop3A_294 = vector.shape_cast %parallel_loop3A_289 : vector<16xf32> to vector<1x16xf32>
      tpu.vector_store %arg12[%parallel_loop3A_290, %parallel_loop3A_291], %parallel_loop3A_294 {add = true, strides = array<i32>} : memref<128x128xf32, #tpu.memory_space<vmem>>, vector<1x16xf32>,
      %parallel_loop3A_295 = arith.constant 0 : i32
      %parallel_loop3A_296 = arith.addi %parallel_loop3A_295, %parallel_loop3A_272 : i32
      %parallel_loop3A_297 = arith.index_cast %parallel_loop3A_296 : i32 to index
      %parallel_loop3A_298 = arith.constant 32 : index
      %parallel_loop3A_299 = tpu.vector_load %arg7[%parallel_loop3A_297, %parallel_loop3A_298] {strides = array<i32>} : memref<256x128xf32, #tpu.memory_space<vmem>>, vector<1x16xf32>,
      %parallel_loop3A_300 = vector.shape_cast %parallel_loop3A_299 : vector<1x16xf32> to vector<16xf32>
      %parallel_loop3A_301 = arith.index_cast %parallel_loop3A_272 : i32 to index
      %parallel_loop3A_302 = arith.constant 32 : index
      %parallel_loop3A_303 = tpu.vector_load %arg12[%parallel_loop3A_301, %parallel_loop3A_302] {strides = array<i32>} : memref<128x128xf32, #tpu.memory_space<vmem>>, vector<1x16xf32>,
      %parallel_loop3A_304 = vector.shape_cast %parallel_loop3A_303 : vector<1x16xf32> to vector<16xf32>
      %parallel_loop3A_305 = vector.shape_cast %parallel_loop3A_300 : vector<16xf32> to vector<1x16xf32>
      tpu.vector_store %arg12[%parallel_loop3A_301, %parallel_loop3A_302], %parallel_loop3A_305 {add = true, strides = array<i32>} : memref<128x128xf32, #tpu.memory_space<vmem>>, vector<1x16xf32>,
      %parallel_loop3A_306 = arith.constant 0 : i32
      %parallel_loop3A_307 = arith.addi %parallel_loop3A_306, %parallel_loop3A_272 : i32
      %parallel_loop3A_308 = arith.index_cast %parallel_loop3A_307 : i32 to index
      %parallel_loop3A_309 = arith.constant 48 : index
      %parallel_loop3A_310 = tpu.vector_load %arg7[%parallel_loop3A_308, %parallel_loop3A_309] {strides = array<i32>} : memref<256x128xf32, #tpu.memory_space<vmem>>, vector<1x16xf32>,
      %parallel_loop3A_311 = vector.shape_cast %parallel_loop3A_310 : vector<1x16xf32> to vector<16xf32>
      %parallel_loop3A_312 = arith.index_cast %parallel_loop3A_272 : i32 to index
      %parallel_loop3A_313 = arith.constant 48 : index
      %parallel_loop3A_314 = tpu.vector_load %arg12[%parallel_loop3A_312, %parallel_loop3A_313] {strides = array<i32>} : memref<128x128xf32, #tpu.memory_space<vmem>>, vector<1x16xf32>,
      %parallel_loop3A_315 = vector.shape_cast %parallel_loop3A_314 : vector<1x16xf32> to vector<16xf32>
      %parallel_loop3A_316 = vector.shape_cast %parallel_loop3A_311 : vector<16xf32> to vector<1x16xf32>
      tpu.vector_store %arg12[%parallel_loop3A_312, %parallel_loop3A_313], %parallel_loop3A_316 {add = true, strides = array<i32>} : memref<128x128xf32, #tpu.memory_space<vmem>>, vector<1x16xf32>,
      %parallel_loop3A_317 = arith.constant 0 : i32
      %parallel_loop3A_318 = arith.addi %parallel_loop3A_317, %parallel_loop3A_272 : i32
      %parallel_loop3A_319 = arith.index_cast %parallel_loop3A_318 : i32 to index
      %parallel_loop3A_320 = arith.constant 64 : index
      %parallel_loop3A_321 = tpu.vector_load %arg7[%parallel_loop3A_319, %parallel_loop3A_320] {strides = array<i32>} : memref<256x128xf32, #tpu.memory_space<vmem>>, vector<1x16xf32>,
      %parallel_loop3A_322 = vector.shape_cast %parallel_loop3A_321 : vector<1x16xf32> to vector<16xf32>
      %parallel_loop3A_323 = arith.index_cast %parallel_loop3A_272 : i32 to index
      %parallel_loop3A_324 = arith.constant 64 : index
      %parallel_loop3A_325 = tpu.vector_load %arg12[%parallel_loop3A_323, %parallel_loop3A_324] {strides = array<i32>} : memref<128x128xf32, #tpu.memory_space<vmem>>, vector<1x16xf32>,
      %parallel_loop3A_326 = vector.shape_cast %parallel_loop3A_325 : vector<1x16xf32> to vector<16xf32>
      %parallel_loop3A_327 = vector.shape_cast %parallel_loop3A_322 : vector<16xf32> to vector<1x16xf32>
      tpu.vector_store %arg12[%parallel_loop3A_323, %parallel_loop3A_324], %parallel_loop3A_327 {add = true, strides = array<i32>} : memref<128x128xf32, #tpu.memory_space<vmem>>, vector<1x16xf32>,
      %parallel_loop3A_328 = arith.constant 0 : i32
      %parallel_loop3A_329 = arith.addi %parallel_loop3A_328, %parallel_loop3A_272 : i32
      %parallel_loop3A_330 = arith.index_cast %parallel_loop3A_329 : i32 to index
      %parallel_loop3A_331 = arith.constant 80 : index
      %parallel_loop3A_332 = tpu.vector_load %arg7[%parallel_loop3A_330, %parallel_loop3A_331] {strides = array<i32>} : memref<256x128xf32, #tpu.memory_space<vmem>>, vector<1x16xf32>,
      %parallel_loop3A_333 = vector.shape_cast %parallel_loop3A_332 : vector<1x16xf32> to vector<16xf32>
      %parallel_loop3A_334 = arith.index_cast %parallel_loop3A_272 : i32 to index
      %parallel_loop3A_335 = arith.constant 80 : index
      %parallel_loop3A_336 = tpu.vector_load %arg12[%parallel_loop3A_334, %parallel_loop3A_335] {strides = array<i32>} : memref<128x128xf32, #tpu.memory_space<vmem>>, vector<1x16xf32>,
      %parallel_loop3A_337 = vector.shape_cast %parallel_loop3A_336 : vector<1x16xf32> to vector<16xf32>
      %parallel_loop3A_338 = vector.shape_cast %parallel_loop3A_333 : vector<16xf32> to vector<1x16xf32>
      tpu.vector_store %arg12[%parallel_loop3A_334, %parallel_loop3A_335], %parallel_loop3A_338 {add = true, strides = array<i32>} : memref<128x128xf32, #tpu.memory_space<vmem>>, vector<1x16xf32>,
      %parallel_loop3A_339 = arith.constant 0 : i32
      %parallel_loop3A_340 = arith.addi %parallel_loop3A_339, %parallel_loop3A_272 : i32
      %parallel_loop3A_341 = arith.index_cast %parallel_loop3A_340 : i32 to index
      %parallel_loop3A_342 = arith.constant 96 : index
      %parallel_loop3A_343 = tpu.vector_load %arg7[%parallel_loop3A_341, %parallel_loop3A_342] {strides = array<i32>} : memref<256x128xf32, #tpu.memory_space<vmem>>, vector<1x16xf32>,
      %parallel_loop3A_344 = vector.shape_cast %parallel_loop3A_343 : vector<1x16xf32> to vector<16xf32>
      %parallel_loop3A_345 = arith.index_cast %parallel_loop3A_272 : i32 to index
      %parallel_loop3A_346 = arith.constant 96 : index
      %parallel_loop3A_347 = tpu.vector_load %arg12[%parallel_loop3A_345, %parallel_loop3A_346] {strides = array<i32>} : memref<128x128xf32, #tpu.memory_space<vmem>>, vector<1x16xf32>,
      %parallel_loop3A_348 = vector.shape_cast %parallel_loop3A_347 : vector<1x16xf32> to vector<16xf32>
      %parallel_loop3A_349 = vector.shape_cast %parallel_loop3A_344 : vector<16xf32> to vector<1x16xf32>
      tpu.vector_store %arg12[%parallel_loop3A_345, %parallel_loop3A_346], %parallel_loop3A_349 {add = true, strides = array<i32>} : memref<128x128xf32, #tpu.memory_space<vmem>>, vector<1x16xf32>,
      %parallel_loop3A_350 = arith.constant 0 : i32
      %parallel_loop3A_351 = arith.addi %parallel_loop3A_350, %parallel_loop3A_272 : i32
      %parallel_loop3A_352 = arith.index_cast %parallel_loop3A_351 : i32 to index
      %parallel_loop3A_353 = arith.constant 112 : index
      %parallel_loop3A_354 = tpu.vector_load %arg7[%parallel_loop3A_352, %parallel_loop3A_353] {strides = array<i32>} : memref<256x128xf32, #tpu.memory_space<vmem>>, vector<1x16xf32>,
      %parallel_loop3A_355 = vector.shape_cast %parallel_loop3A_354 : vector<1x16xf32> to vector<16xf32>
      %parallel_loop3A_356 = arith.index_cast %parallel_loop3A_272 : i32 to index
      %parallel_loop3A_357 = arith.constant 112 : index
      %parallel_loop3A_358 = tpu.vector_load %arg12[%parallel_loop3A_356, %parallel_loop3A_357] {strides = array<i32>} : memref<128x128xf32, #tpu.memory_space<vmem>>, vector<1x16xf32>,
      %parallel_loop3A_359 = vector.shape_cast %parallel_loop3A_358 : vector<1x16xf32> to vector<16xf32>
      %parallel_loop3A_360 = vector.shape_cast %parallel_loop3A_355 : vector<16xf32> to vector<1x16xf32>
      tpu.vector_store %arg12[%parallel_loop3A_356, %parallel_loop3A_357], %parallel_loop3A_360 {add = true, strides = array<i32>} : memref<128x128xf32, #tpu.memory_space<vmem>>, vector<1x16xf32>,
    } {sc.loop_unroll_factor = 1 : i64, sc.parallel_access}
    %add3A_171 = arith.constant 0 : i32
    %add3A_172 = arith.addi %mul3A_2, %add3A_171 : i32
    %dma_start3A_173 = arith.constant 2 : i32
    %dma_start3A_174 = arith.constant 0 : i32
    %dma_start3A_175 = tpu.memref_slice %arg5[%dma_start3A_173, %add3A_172, %dma_start3A_174] : memref<4x8192x128xf32, #tpu.memory_space<hbm>> -> memref<1x128x128xf32, #tpu.memory_space<hbm>>
    %dma_start3A_176 = tpu.memref_squeeze %dma_start3A_175 : memref<1x128x128xf32, #tpu.memory_space<hbm>> -> memref<128x128xf32, #tpu.memory_space<hbm>>
    %dma_start3A_177 = arith.constant 0 : i32
    %dma_start3A_178 = tpu.memref_slice %arg5[%dma_start3A_173, %add3A_172, %dma_start3A_177] : memref<4x8192x128xf32, #tpu.memory_space<hbm>> -> memref<1x128x128xf32, #tpu.memory_space<hbm>>
    %dma_start3A_179 = tpu.memref_squeeze %dma_start3A_178 : memref<1x128x128xf32, #tpu.memory_space<hbm>> -> memref<128x128xf32, #tpu.memory_space<hbm>>
    tpu.enqueue_dma source(%arg12 : memref<128x128xf32, #tpu.memory_space<vmem>>) target(%dma_start3A_179 : memref<128x128xf32, #tpu.memory_space<hbm>>) target_semaphore(%arg23 : memref<!tpu.dma_semaphore, #tpu.memory_space<semaphore_mem>>)
    %dma_wait3A_180 = arith.constant 2 : i32
    %dma_wait3A_181 = arith.constant 128 : i32
    %dma_wait3A_182 = tpu.memref_slice %arg6[%dma_wait3A_180, %dma_wait3A_181] : memref<4x256xi32, #tpu.memory_space<vmem>> -> memref<1x128xi32, #tpu.memory_space<vmem>>
    %dma_wait3A_183 = tpu.memref_squeeze %dma_wait3A_182 : memref<1x128xi32, #tpu.memory_space<vmem>> -> memref<128xi32, #tpu.memory_space<vmem>>
    %dma_wait3A_184 = arith.constant 0 : i32
    %dma_wait3A_185 = arith.constant 0 : i32
    %dma_wait3A_186 = tpu.memref_slice %arg3[%dma_wait3A_184, %dma_wait3A_185] : memref<100000x128xf32, #tpu.memory_space<hbm>> -> memref<100000x128xf32, #tpu.memory_space<hbm>>
    tpu.wait_indirect_dma semaphore(%arg14 : memref<!tpu.dma_semaphore, #tpu.memory_space<semaphore_mem>>) src(%dma_wait3A_186 : memref<100000x128xf32, #tpu.memory_space<hbm>>) dst(%arg8 : memref<128x128xf32, #tpu.memory_space<vmem>>)
    %parallel_loop3A_187 = arith.constant 0 : i32
    %parallel_loop3A_188 = arith.constant 128 : i32
    %parallel_loop3A_189 = arith.constant 1 : i32
    scf.for %parallel_loop3A_272 = %parallel_loop3A_187 to %parallel_loop3A_188 step %parallel_loop3A_189  : i32 {
      %parallel_loop3A_273 = arith.constant 128 : i32
      %parallel_loop3A_274 = arith.addi %parallel_loop3A_273, %parallel_loop3A_272 : i32
      %parallel_loop3A_275 = arith.index_cast %parallel_loop3A_274 : i32 to index
      %parallel_loop3A_276 = arith.constant 0 : index
      %parallel_loop3A_277 = tpu.vector_load %arg7[%parallel_loop3A_275, %parallel_loop3A_276] {strides = array<i32>} : memref<256x128xf32, #tpu.memory_space<vmem>>, vector<1x16xf32>,
      %parallel_loop3A_278 = vector.shape_cast %parallel_loop3A_277 : vector<1x16xf32> to vector<16xf32>
      %parallel_loop3A_279 = arith.index_cast %parallel_loop3A_272 : i32 to index
      %parallel_loop3A_280 = arith.constant 0 : index
      %parallel_loop3A_281 = tpu.vector_load %arg8[%parallel_loop3A_279, %parallel_loop3A_280] {strides = array<i32>} : memref<128x128xf32, #tpu.memory_space<vmem>>, vector<1x16xf32>,
      %parallel_loop3A_282 = vector.shape_cast %parallel_loop3A_281 : vector<1x16xf32> to vector<16xf32>
      %parallel_loop3A_283 = vector.shape_cast %parallel_loop3A_278 : vector<16xf32> to vector<1x16xf32>
      tpu.vector_store %arg8[%parallel_loop3A_279, %parallel_loop3A_280], %parallel_loop3A_283 {add = true, strides = array<i32>} : memref<128x128xf32, #tpu.memory_space<vmem>>, vector<1x16xf32>,
      %parallel_loop3A_284 = arith.constant 128 : i32
      %parallel_loop3A_285 = arith.addi %parallel_loop3A_284, %parallel_loop3A_272 : i32
      %parallel_loop3A_286 = arith.index_cast %parallel_loop3A_285 : i32 to index
      %parallel_loop3A_287 = arith.constant 16 : index
      %parallel_loop3A_288 = tpu.vector_load %arg7[%parallel_loop3A_286, %parallel_loop3A_287] {strides = array<i32>} : memref<256x128xf32, #tpu.memory_space<vmem>>, vector<1x16xf32>,
      %parallel_loop3A_289 = vector.shape_cast %parallel_loop3A_288 : vector<1x16xf32> to vector<16xf32>
      %parallel_loop3A_290 = arith.index_cast %parallel_loop3A_272 : i32 to index
      %parallel_loop3A_291 = arith.constant 16 : index
      %parallel_loop3A_292 = tpu.vector_load %arg8[%parallel_loop3A_290, %parallel_loop3A_291] {strides = array<i32>} : memref<128x128xf32, #tpu.memory_space<vmem>>, vector<1x16xf32>,
      %parallel_loop3A_293 = vector.shape_cast %parallel_loop3A_292 : vector<1x16xf32> to vector<16xf32>
      %parallel_loop3A_294 = vector.shape_cast %parallel_loop3A_289 : vector<16xf32> to vector<1x16xf32>
      tpu.vector_store %arg8[%parallel_loop3A_290, %parallel_loop3A_291], %parallel_loop3A_294 {add = true, strides = array<i32>} : memref<128x128xf32, #tpu.memory_space<vmem>>, vector<1x16xf32>,
      %parallel_loop3A_295 = arith.constant 128 : i32
      %parallel_loop3A_296 = arith.addi %parallel_loop3A_295, %parallel_loop3A_272 : i32
      %parallel_loop3A_297 = arith.index_cast %parallel_loop3A_296 : i32 to index
      %parallel_loop3A_298 = arith.constant 32 : index
      %parallel_loop3A_299 = tpu.vector_load %arg7[%parallel_loop3A_297, %parallel_loop3A_298] {strides = array<i32>} : memref<256x128xf32, #tpu.memory_space<vmem>>, vector<1x16xf32>,
      %parallel_loop3A_300 = vector.shape_cast %parallel_loop3A_299 : vector<1x16xf32> to vector<16xf32>
      %parallel_loop3A_301 = arith.index_cast %parallel_loop3A_272 : i32 to index
      %parallel_loop3A_302 = arith.constant 32 : index
      %parallel_loop3A_303 = tpu.vector_load %arg8[%parallel_loop3A_301, %parallel_loop3A_302] {strides = array<i32>} : memref<128x128xf32, #tpu.memory_space<vmem>>, vector<1x16xf32>,
      %parallel_loop3A_304 = vector.shape_cast %parallel_loop3A_303 : vector<1x16xf32> to vector<16xf32>
      %parallel_loop3A_305 = vector.shape_cast %parallel_loop3A_300 : vector<16xf32> to vector<1x16xf32>
      tpu.vector_store %arg8[%parallel_loop3A_301, %parallel_loop3A_302], %parallel_loop3A_305 {add = true, strides = array<i32>} : memref<128x128xf32, #tpu.memory_space<vmem>>, vector<1x16xf32>,
      %parallel_loop3A_306 = arith.constant 128 : i32
      %parallel_loop3A_307 = arith.addi %parallel_loop3A_306, %parallel_loop3A_272 : i32
      %parallel_loop3A_308 = arith.index_cast %parallel_loop3A_307 : i32 to index
      %parallel_loop3A_309 = arith.constant 48 : index
      %parallel_loop3A_310 = tpu.vector_load %arg7[%parallel_loop3A_308, %parallel_loop3A_309] {strides = array<i32>} : memref<256x128xf32, #tpu.memory_space<vmem>>, vector<1x16xf32>,
      %parallel_loop3A_311 = vector.shape_cast %parallel_loop3A_310 : vector<1x16xf32> to vector<16xf32>
      %parallel_loop3A_312 = arith.index_cast %parallel_loop3A_272 : i32 to index
      %parallel_loop3A_313 = arith.constant 48 : index
      %parallel_loop3A_314 = tpu.vector_load %arg8[%parallel_loop3A_312, %parallel_loop3A_313] {strides = array<i32>} : memref<128x128xf32, #tpu.memory_space<vmem>>, vector<1x16xf32>,
      %parallel_loop3A_315 = vector.shape_cast %parallel_loop3A_314 : vector<1x16xf32> to vector<16xf32>
      %parallel_loop3A_316 = vector.shape_cast %parallel_loop3A_311 : vector<16xf32> to vector<1x16xf32>
      tpu.vector_store %arg8[%parallel_loop3A_312, %parallel_loop3A_313], %parallel_loop3A_316 {add = true, strides = array<i32>} : memref<128x128xf32, #tpu.memory_space<vmem>>, vector<1x16xf32>,
      %parallel_loop3A_317 = arith.constant 128 : i32
      %parallel_loop3A_318 = arith.addi %parallel_loop3A_317, %parallel_loop3A_272 : i32
      %parallel_loop3A_319 = arith.index_cast %parallel_loop3A_318 : i32 to index
      %parallel_loop3A_320 = arith.constant 64 : index
      %parallel_loop3A_321 = tpu.vector_load %arg7[%parallel_loop3A_319, %parallel_loop3A_320] {strides = array<i32>} : memref<256x128xf32, #tpu.memory_space<vmem>>, vector<1x16xf32>,
      %parallel_loop3A_322 = vector.shape_cast %parallel_loop3A_321 : vector<1x16xf32> to vector<16xf32>
      %parallel_loop3A_323 = arith.index_cast %parallel_loop3A_272 : i32 to index
      %parallel_loop3A_324 = arith.constant 64 : index
      %parallel_loop3A_325 = tpu.vector_load %arg8[%parallel_loop3A_323, %parallel_loop3A_324] {strides = array<i32>} : memref<128x128xf32, #tpu.memory_space<vmem>>, vector<1x16xf32>,
      %parallel_loop3A_326 = vector.shape_cast %parallel_loop3A_325 : vector<1x16xf32> to vector<16xf32>
      %parallel_loop3A_327 = vector.shape_cast %parallel_loop3A_322 : vector<16xf32> to vector<1x16xf32>
      tpu.vector_store %arg8[%parallel_loop3A_323, %parallel_loop3A_324], %parallel_loop3A_327 {add = true, strides = array<i32>} : memref<128x128xf32, #tpu.memory_space<vmem>>, vector<1x16xf32>,
      %parallel_loop3A_328 = arith.constant 128 : i32
      %parallel_loop3A_329 = arith.addi %parallel_loop3A_328, %parallel_loop3A_272 : i32
      %parallel_loop3A_330 = arith.index_cast %parallel_loop3A_329 : i32 to index
      %parallel_loop3A_331 = arith.constant 80 : index
      %parallel_loop3A_332 = tpu.vector_load %arg7[%parallel_loop3A_330, %parallel_loop3A_331] {strides = array<i32>} : memref<256x128xf32, #tpu.memory_space<vmem>>, vector<1x16xf32>,
      %parallel_loop3A_333 = vector.shape_cast %parallel_loop3A_332 : vector<1x16xf32> to vector<16xf32>
      %parallel_loop3A_334 = arith.index_cast %parallel_loop3A_272 : i32 to index
      %parallel_loop3A_335 = arith.constant 80 : index
      %parallel_loop3A_336 = tpu.vector_load %arg8[%parallel_loop3A_334, %parallel_loop3A_335] {strides = array<i32>} : memref<128x128xf32, #tpu.memory_space<vmem>>, vector<1x16xf32>,
      %parallel_loop3A_337 = vector.shape_cast %parallel_loop3A_336 : vector<1x16xf32> to vector<16xf32>
      %parallel_loop3A_338 = vector.shape_cast %parallel_loop3A_333 : vector<16xf32> to vector<1x16xf32>
      tpu.vector_store %arg8[%parallel_loop3A_334, %parallel_loop3A_335], %parallel_loop3A_338 {add = true, strides = array<i32>} : memref<128x128xf32, #tpu.memory_space<vmem>>, vector<1x16xf32>,
      %parallel_loop3A_339 = arith.constant 128 : i32
      %parallel_loop3A_340 = arith.addi %parallel_loop3A_339, %parallel_loop3A_272 : i32
      %parallel_loop3A_341 = arith.index_cast %parallel_loop3A_340 : i32 to index
      %parallel_loop3A_342 = arith.constant 96 : index
      %parallel_loop3A_343 = tpu.vector_load %arg7[%parallel_loop3A_341, %parallel_loop3A_342] {strides = array<i32>} : memref<256x128xf32, #tpu.memory_space<vmem>>, vector<1x16xf32>,
      %parallel_loop3A_344 = vector.shape_cast %parallel_loop3A_343 : vector<1x16xf32> to vector<16xf32>
      %parallel_loop3A_345 = arith.index_cast %parallel_loop3A_272 : i32 to index
      %parallel_loop3A_346 = arith.constant 96 : index
      %parallel_loop3A_347 = tpu.vector_load %arg8[%parallel_loop3A_345, %parallel_loop3A_346] {strides = array<i32>} : memref<128x128xf32, #tpu.memory_space<vmem>>, vector<1x16xf32>,
      %parallel_loop3A_348 = vector.shape_cast %parallel_loop3A_347 : vector<1x16xf32> to vector<16xf32>
      %parallel_loop3A_349 = vector.shape_cast %parallel_loop3A_344 : vector<16xf32> to vector<1x16xf32>
      tpu.vector_store %arg8[%parallel_loop3A_345, %parallel_loop3A_346], %parallel_loop3A_349 {add = true, strides = array<i32>} : memref<128x128xf32, #tpu.memory_space<vmem>>, vector<1x16xf32>,
      %parallel_loop3A_350 = arith.constant 128 : i32
      %parallel_loop3A_351 = arith.addi %parallel_loop3A_350, %parallel_loop3A_272 : i32
      %parallel_loop3A_352 = arith.index_cast %parallel_loop3A_351 : i32 to index
      %parallel_loop3A_353 = arith.constant 112 : index
      %parallel_loop3A_354 = tpu.vector_load %arg7[%parallel_loop3A_352, %parallel_loop3A_353] {strides = array<i32>} : memref<256x128xf32, #tpu.memory_space<vmem>>, vector<1x16xf32>,
      %parallel_loop3A_355 = vector.shape_cast %parallel_loop3A_354 : vector<1x16xf32> to vector<16xf32>
      %parallel_loop3A_356 = arith.index_cast %parallel_loop3A_272 : i32 to index
      %parallel_loop3A_357 = arith.constant 112 : index
      %parallel_loop3A_358 = tpu.vector_load %arg8[%parallel_loop3A_356, %parallel_loop3A_357] {strides = array<i32>} : memref<128x128xf32, #tpu.memory_space<vmem>>, vector<1x16xf32>,
      %parallel_loop3A_359 = vector.shape_cast %parallel_loop3A_358 : vector<1x16xf32> to vector<16xf32>
      %parallel_loop3A_360 = vector.shape_cast %parallel_loop3A_355 : vector<16xf32> to vector<1x16xf32>
      tpu.vector_store %arg8[%parallel_loop3A_356, %parallel_loop3A_357], %parallel_loop3A_360 {add = true, strides = array<i32>} : memref<128x128xf32, #tpu.memory_space<vmem>>, vector<1x16xf32>,
    } {sc.loop_unroll_factor = 1 : i64, sc.parallel_access}
    %add3A_190 = arith.constant 128 : i32
    %add3A_191 = arith.addi %mul3A_2, %add3A_190 : i32
    %dma_start3A_192 = arith.constant 2 : i32
    %dma_start3A_193 = arith.constant 0 : i32
    %dma_start3A_194 = tpu.memref_slice %arg5[%dma_start3A_192, %add3A_191, %dma_start3A_193] : memref<4x8192x128xf32, #tpu.memory_space<hbm>> -> memref<1x128x128xf32, #tpu.memory_space<hbm>>
    %dma_start3A_195 = tpu.memref_squeeze %dma_start3A_194 : memref<1x128x128xf32, #tpu.memory_space<hbm>> -> memref<128x128xf32, #tpu.memory_space<hbm>>
    %dma_start3A_196 = arith.constant 0 : i32
    %dma_start3A_197 = tpu.memref_slice %arg5[%dma_start3A_192, %add3A_191, %dma_start3A_196] : memref<4x8192x128xf32, #tpu.memory_space<hbm>> -> memref<1x128x128xf32, #tpu.memory_space<hbm>>
    %dma_start3A_198 = tpu.memref_squeeze %dma_start3A_197 : memref<1x128x128xf32, #tpu.memory_space<hbm>> -> memref<128x128xf32, #tpu.memory_space<hbm>>
    tpu.enqueue_dma source(%arg8 : memref<128x128xf32, #tpu.memory_space<vmem>>) target(%dma_start3A_198 : memref<128x128xf32, #tpu.memory_space<hbm>>) target_semaphore(%arg19 : memref<!tpu.dma_semaphore, #tpu.memory_space<semaphore_mem>>)
    %dma_wait3A_199 = arith.constant 3 : i32
    %dma_wait3A_200 = arith.constant 0 : i32
    %dma_wait3A_201 = tpu.memref_slice %arg6[%dma_wait3A_199, %dma_wait3A_200] : memref<4x256xi32, #tpu.memory_space<vmem>> -> memref<1x128xi32, #tpu.memory_space<vmem>>
    %dma_wait3A_202 = tpu.memref_squeeze %dma_wait3A_201 : memref<1x128xi32, #tpu.memory_space<vmem>> -> memref<128xi32, #tpu.memory_space<vmem>>
    %dma_wait3A_203 = arith.constant 0 : i32
    %dma_wait3A_204 = arith.constant 0 : i32
    %dma_wait3A_205 = tpu.memref_slice %arg3[%dma_wait3A_203, %dma_wait3A_204] : memref<100000x128xf32, #tpu.memory_space<hbm>> -> memref<100000x128xf32, #tpu.memory_space<hbm>>
    tpu.wait_indirect_dma semaphore(%arg15 : memref<!tpu.dma_semaphore, #tpu.memory_space<semaphore_mem>>) src(%dma_wait3A_205 : memref<100000x128xf32, #tpu.memory_space<hbm>>) dst(%arg9 : memref<128x128xf32, #tpu.memory_space<vmem>>)
    %parallel_loop3A_206 = arith.constant 0 : i32
    %parallel_loop3A_207 = arith.constant 128 : i32
    %parallel_loop3A_208 = arith.constant 1 : i32
    scf.for %parallel_loop3A_272 = %parallel_loop3A_206 to %parallel_loop3A_207 step %parallel_loop3A_208  : i32 {
      %parallel_loop3A_273 = arith.constant 0 : i32
      %parallel_loop3A_274 = arith.addi %parallel_loop3A_273, %parallel_loop3A_272 : i32
      %parallel_loop3A_275 = arith.index_cast %parallel_loop3A_274 : i32 to index
      %parallel_loop3A_276 = arith.constant 0 : index
      %parallel_loop3A_277 = tpu.vector_load %arg7[%parallel_loop3A_275, %parallel_loop3A_276] {strides = array<i32>} : memref<256x128xf32, #tpu.memory_space<vmem>>, vector<1x16xf32>,
      %parallel_loop3A_278 = vector.shape_cast %parallel_loop3A_277 : vector<1x16xf32> to vector<16xf32>
      %parallel_loop3A_279 = arith.index_cast %parallel_loop3A_272 : i32 to index
      %parallel_loop3A_280 = arith.constant 0 : index
      %parallel_loop3A_281 = tpu.vector_load %arg9[%parallel_loop3A_279, %parallel_loop3A_280] {strides = array<i32>} : memref<128x128xf32, #tpu.memory_space<vmem>>, vector<1x16xf32>,
      %parallel_loop3A_282 = vector.shape_cast %parallel_loop3A_281 : vector<1x16xf32> to vector<16xf32>
      %parallel_loop3A_283 = vector.shape_cast %parallel_loop3A_278 : vector<16xf32> to vector<1x16xf32>
      tpu.vector_store %arg9[%parallel_loop3A_279, %parallel_loop3A_280], %parallel_loop3A_283 {add = true, strides = array<i32>} : memref<128x128xf32, #tpu.memory_space<vmem>>, vector<1x16xf32>,
      %parallel_loop3A_284 = arith.constant 0 : i32
      %parallel_loop3A_285 = arith.addi %parallel_loop3A_284, %parallel_loop3A_272 : i32
      %parallel_loop3A_286 = arith.index_cast %parallel_loop3A_285 : i32 to index
      %parallel_loop3A_287 = arith.constant 16 : index
      %parallel_loop3A_288 = tpu.vector_load %arg7[%parallel_loop3A_286, %parallel_loop3A_287] {strides = array<i32>} : memref<256x128xf32, #tpu.memory_space<vmem>>, vector<1x16xf32>,
      %parallel_loop3A_289 = vector.shape_cast %parallel_loop3A_288 : vector<1x16xf32> to vector<16xf32>
      %parallel_loop3A_290 = arith.index_cast %parallel_loop3A_272 : i32 to index
      %parallel_loop3A_291 = arith.constant 16 : index
      %parallel_loop3A_292 = tpu.vector_load %arg9[%parallel_loop3A_290, %parallel_loop3A_291] {strides = array<i32>} : memref<128x128xf32, #tpu.memory_space<vmem>>, vector<1x16xf32>,
      %parallel_loop3A_293 = vector.shape_cast %parallel_loop3A_292 : vector<1x16xf32> to vector<16xf32>
      %parallel_loop3A_294 = vector.shape_cast %parallel_loop3A_289 : vector<16xf32> to vector<1x16xf32>
      tpu.vector_store %arg9[%parallel_loop3A_290, %parallel_loop3A_291], %parallel_loop3A_294 {add = true, strides = array<i32>} : memref<128x128xf32, #tpu.memory_space<vmem>>, vector<1x16xf32>,
      %parallel_loop3A_295 = arith.constant 0 : i32
      %parallel_loop3A_296 = arith.addi %parallel_loop3A_295, %parallel_loop3A_272 : i32
      %parallel_loop3A_297 = arith.index_cast %parallel_loop3A_296 : i32 to index
      %parallel_loop3A_298 = arith.constant 32 : index
      %parallel_loop3A_299 = tpu.vector_load %arg7[%parallel_loop3A_297, %parallel_loop3A_298] {strides = array<i32>} : memref<256x128xf32, #tpu.memory_space<vmem>>, vector<1x16xf32>,
      %parallel_loop3A_300 = vector.shape_cast %parallel_loop3A_299 : vector<1x16xf32> to vector<16xf32>
      %parallel_loop3A_301 = arith.index_cast %parallel_loop3A_272 : i32 to index
      %parallel_loop3A_302 = arith.constant 32 : index
      %parallel_loop3A_303 = tpu.vector_load %arg9[%parallel_loop3A_301, %parallel_loop3A_302] {strides = array<i32>} : memref<128x128xf32, #tpu.memory_space<vmem>>, vector<1x16xf32>,
      %parallel_loop3A_304 = vector.shape_cast %parallel_loop3A_303 : vector<1x16xf32> to vector<16xf32>
      %parallel_loop3A_305 = vector.shape_cast %parallel_loop3A_300 : vector<16xf32> to vector<1x16xf32>
      tpu.vector_store %arg9[%parallel_loop3A_301, %parallel_loop3A_302], %parallel_loop3A_305 {add = true, strides = array<i32>} : memref<128x128xf32, #tpu.memory_space<vmem>>, vector<1x16xf32>,
      %parallel_loop3A_306 = arith.constant 0 : i32
      %parallel_loop3A_307 = arith.addi %parallel_loop3A_306, %parallel_loop3A_272 : i32
      %parallel_loop3A_308 = arith.index_cast %parallel_loop3A_307 : i32 to index
      %parallel_loop3A_309 = arith.constant 48 : index
      %parallel_loop3A_310 = tpu.vector_load %arg7[%parallel_loop3A_308, %parallel_loop3A_309] {strides = array<i32>} : memref<256x128xf32, #tpu.memory_space<vmem>>, vector<1x16xf32>,
      %parallel_loop3A_311 = vector.shape_cast %parallel_loop3A_310 : vector<1x16xf32> to vector<16xf32>
      %parallel_loop3A_312 = arith.index_cast %parallel_loop3A_272 : i32 to index
      %parallel_loop3A_313 = arith.constant 48 : index
      %parallel_loop3A_314 = tpu.vector_load %arg9[%parallel_loop3A_312, %parallel_loop3A_313] {strides = array<i32>} : memref<128x128xf32, #tpu.memory_space<vmem>>, vector<1x16xf32>,
      %parallel_loop3A_315 = vector.shape_cast %parallel_loop3A_314 : vector<1x16xf32> to vector<16xf32>
      %parallel_loop3A_316 = vector.shape_cast %parallel_loop3A_311 : vector<16xf32> to vector<1x16xf32>
      tpu.vector_store %arg9[%parallel_loop3A_312, %parallel_loop3A_313], %parallel_loop3A_316 {add = true, strides = array<i32>} : memref<128x128xf32, #tpu.memory_space<vmem>>, vector<1x16xf32>,
      %parallel_loop3A_317 = arith.constant 0 : i32
      %parallel_loop3A_318 = arith.addi %parallel_loop3A_317, %parallel_loop3A_272 : i32
      %parallel_loop3A_319 = arith.index_cast %parallel_loop3A_318 : i32 to index
      %parallel_loop3A_320 = arith.constant 64 : index
      %parallel_loop3A_321 = tpu.vector_load %arg7[%parallel_loop3A_319, %parallel_loop3A_320] {strides = array<i32>} : memref<256x128xf32, #tpu.memory_space<vmem>>, vector<1x16xf32>,
      %parallel_loop3A_322 = vector.shape_cast %parallel_loop3A_321 : vector<1x16xf32> to vector<16xf32>
      %parallel_loop3A_323 = arith.index_cast %parallel_loop3A_272 : i32 to index
      %parallel_loop3A_324 = arith.constant 64 : index
      %parallel_loop3A_325 = tpu.vector_load %arg9[%parallel_loop3A_323, %parallel_loop3A_324] {strides = array<i32>} : memref<128x128xf32, #tpu.memory_space<vmem>>, vector<1x16xf32>,
      %parallel_loop3A_326 = vector.shape_cast %parallel_loop3A_325 : vector<1x16xf32> to vector<16xf32>
      %parallel_loop3A_327 = vector.shape_cast %parallel_loop3A_322 : vector<16xf32> to vector<1x16xf32>
      tpu.vector_store %arg9[%parallel_loop3A_323, %parallel_loop3A_324], %parallel_loop3A_327 {add = true, strides = array<i32>} : memref<128x128xf32, #tpu.memory_space<vmem>>, vector<1x16xf32>,
      %parallel_loop3A_328 = arith.constant 0 : i32
      %parallel_loop3A_329 = arith.addi %parallel_loop3A_328, %parallel_loop3A_272 : i32
      %parallel_loop3A_330 = arith.index_cast %parallel_loop3A_329 : i32 to index
      %parallel_loop3A_331 = arith.constant 80 : index
      %parallel_loop3A_332 = tpu.vector_load %arg7[%parallel_loop3A_330, %parallel_loop3A_331] {strides = array<i32>} : memref<256x128xf32, #tpu.memory_space<vmem>>, vector<1x16xf32>,
      %parallel_loop3A_333 = vector.shape_cast %parallel_loop3A_332 : vector<1x16xf32> to vector<16xf32>
      %parallel_loop3A_334 = arith.index_cast %parallel_loop3A_272 : i32 to index
      %parallel_loop3A_335 = arith.constant 80 : index
      %parallel_loop3A_336 = tpu.vector_load %arg9[%parallel_loop3A_334, %parallel_loop3A_335] {strides = array<i32>} : memref<128x128xf32, #tpu.memory_space<vmem>>, vector<1x16xf32>,
      %parallel_loop3A_337 = vector.shape_cast %parallel_loop3A_336 : vector<1x16xf32> to vector<16xf32>
      %parallel_loop3A_338 = vector.shape_cast %parallel_loop3A_333 : vector<16xf32> to vector<1x16xf32>
      tpu.vector_store %arg9[%parallel_loop3A_334, %parallel_loop3A_335], %parallel_loop3A_338 {add = true, strides = array<i32>} : memref<128x128xf32, #tpu.memory_space<vmem>>, vector<1x16xf32>,
      %parallel_loop3A_339 = arith.constant 0 : i32
      %parallel_loop3A_340 = arith.addi %parallel_loop3A_339, %parallel_loop3A_272 : i32
      %parallel_loop3A_341 = arith.index_cast %parallel_loop3A_340 : i32 to index
      %parallel_loop3A_342 = arith.constant 96 : index
      %parallel_loop3A_343 = tpu.vector_load %arg7[%parallel_loop3A_341, %parallel_loop3A_342] {strides = array<i32>} : memref<256x128xf32, #tpu.memory_space<vmem>>, vector<1x16xf32>,
      %parallel_loop3A_344 = vector.shape_cast %parallel_loop3A_343 : vector<1x16xf32> to vector<16xf32>
      %parallel_loop3A_345 = arith.index_cast %parallel_loop3A_272 : i32 to index
      %parallel_loop3A_346 = arith.constant 96 : index
      %parallel_loop3A_347 = tpu.vector_load %arg9[%parallel_loop3A_345, %parallel_loop3A_346] {strides = array<i32>} : memref<128x128xf32, #tpu.memory_space<vmem>>, vector<1x16xf32>,
      %parallel_loop3A_348 = vector.shape_cast %parallel_loop3A_347 : vector<1x16xf32> to vector<16xf32>
      %parallel_loop3A_349 = vector.shape_cast %parallel_loop3A_344 : vector<16xf32> to vector<1x16xf32>
      tpu.vector_store %arg9[%parallel_loop3A_345, %parallel_loop3A_346], %parallel_loop3A_349 {add = true, strides = array<i32>} : memref<128x128xf32, #tpu.memory_space<vmem>>, vector<1x16xf32>,
      %parallel_loop3A_350 = arith.constant 0 : i32
      %parallel_loop3A_351 = arith.addi %parallel_loop3A_350, %parallel_loop3A_272 : i32
      %parallel_loop3A_352 = arith.index_cast %parallel_loop3A_351 : i32 to index
      %parallel_loop3A_353 = arith.constant 112 : index
      %parallel_loop3A_354 = tpu.vector_load %arg7[%parallel_loop3A_352, %parallel_loop3A_353] {strides = array<i32>} : memref<256x128xf32, #tpu.memory_space<vmem>>, vector<1x16xf32>,
      %parallel_loop3A_355 = vector.shape_cast %parallel_loop3A_354 : vector<1x16xf32> to vector<16xf32>
      %parallel_loop3A_356 = arith.index_cast %parallel_loop3A_272 : i32 to index
      %parallel_loop3A_357 = arith.constant 112 : index
      %parallel_loop3A_358 = tpu.vector_load %arg9[%parallel_loop3A_356, %parallel_loop3A_357] {strides = array<i32>} : memref<128x128xf32, #tpu.memory_space<vmem>>, vector<1x16xf32>,
      %parallel_loop3A_359 = vector.shape_cast %parallel_loop3A_358 : vector<1x16xf32> to vector<16xf32>
      %parallel_loop3A_360 = vector.shape_cast %parallel_loop3A_355 : vector<16xf32> to vector<1x16xf32>
      tpu.vector_store %arg9[%parallel_loop3A_356, %parallel_loop3A_357], %parallel_loop3A_360 {add = true, strides = array<i32>} : memref<128x128xf32, #tpu.memory_space<vmem>>, vector<1x16xf32>,
    } {sc.loop_unroll_factor = 1 : i64, sc.parallel_access}
    %add3A_209 = arith.constant 0 : i32
    %add3A_210 = arith.addi %mul3A_2, %add3A_209 : i32
    %dma_start3A_211 = arith.constant 3 : i32
    %dma_start3A_212 = arith.constant 0 : i32
    %dma_start3A_213 = tpu.memref_slice %arg5[%dma_start3A_211, %add3A_210, %dma_start3A_212] : memref<4x8192x128xf32, #tpu.memory_space<hbm>> -> memref<1x128x128xf32, #tpu.memory_space<hbm>>
    %dma_start3A_214 = tpu.memref_squeeze %dma_start3A_213 : memref<1x128x128xf32, #tpu.memory_space<hbm>> -> memref<128x128xf32, #tpu.memory_space<hbm>>
    %dma_start3A_215 = arith.constant 0 : i32
    %dma_start3A_216 = tpu.memref_slice %arg5[%dma_start3A_211, %add3A_210, %dma_start3A_215] : memref<4x8192x128xf32, #tpu.memory_space<hbm>> -> memref<1x128x128xf32, #tpu.memory_space<hbm>>
    %dma_start3A_217 = tpu.memref_squeeze %dma_start3A_216 : memref<1x128x128xf32, #tpu.memory_space<hbm>> -> memref<128x128xf32, #tpu.memory_space<hbm>>
    tpu.enqueue_dma source(%arg9 : memref<128x128xf32, #tpu.memory_space<vmem>>) target(%dma_start3A_217 : memref<128x128xf32, #tpu.memory_space<hbm>>) target_semaphore(%arg20 : memref<!tpu.dma_semaphore, #tpu.memory_space<semaphore_mem>>)
    %dma_wait3A_218 = arith.constant 3 : i32
    %dma_wait3A_219 = arith.constant 128 : i32
    %dma_wait3A_220 = tpu.memref_slice %arg6[%dma_wait3A_218, %dma_wait3A_219] : memref<4x256xi32, #tpu.memory_space<vmem>> -> memref<1x128xi32, #tpu.memory_space<vmem>>
    %dma_wait3A_221 = tpu.memref_squeeze %dma_wait3A_220 : memref<1x128xi32, #tpu.memory_space<vmem>> -> memref<128xi32, #tpu.memory_space<vmem>>
    %dma_wait3A_222 = arith.constant 0 : i32
    %dma_wait3A_223 = arith.constant 0 : i32
    %dma_wait3A_224 = tpu.memref_slice %arg3[%dma_wait3A_222, %dma_wait3A_223] : memref<100000x128xf32, #tpu.memory_space<hbm>> -> memref<100000x128xf32, #tpu.memory_space<hbm>>
    tpu.wait_indirect_dma semaphore(%arg16 : memref<!tpu.dma_semaphore, #tpu.memory_space<semaphore_mem>>) src(%dma_wait3A_224 : memref<100000x128xf32, #tpu.memory_space<hbm>>) dst(%arg10 : memref<128x128xf32, #tpu.memory_space<vmem>>)
    %parallel_loop3A_225 = arith.constant 0 : i32
    %parallel_loop3A_226 = arith.constant 128 : i32
    %parallel_loop3A_227 = arith.constant 1 : i32
    scf.for %parallel_loop3A_272 = %parallel_loop3A_225 to %parallel_loop3A_226 step %parallel_loop3A_227  : i32 {
      %parallel_loop3A_273 = arith.constant 128 : i32
      %parallel_loop3A_274 = arith.addi %parallel_loop3A_273, %parallel_loop3A_272 : i32
      %parallel_loop3A_275 = arith.index_cast %parallel_loop3A_274 : i32 to index
      %parallel_loop3A_276 = arith.constant 0 : index
      %parallel_loop3A_277 = tpu.vector_load %arg7[%parallel_loop3A_275, %parallel_loop3A_276] {strides = array<i32>} : memref<256x128xf32, #tpu.memory_space<vmem>>, vector<1x16xf32>,
      %parallel_loop3A_278 = vector.shape_cast %parallel_loop3A_277 : vector<1x16xf32> to vector<16xf32>
      %parallel_loop3A_279 = arith.index_cast %parallel_loop3A_272 : i32 to index
      %parallel_loop3A_280 = arith.constant 0 : index
      %parallel_loop3A_281 = tpu.vector_load %arg10[%parallel_loop3A_279, %parallel_loop3A_280] {strides = array<i32>} : memref<128x128xf32, #tpu.memory_space<vmem>>, vector<1x16xf32>,
      %parallel_loop3A_282 = vector.shape_cast %parallel_loop3A_281 : vector<1x16xf32> to vector<16xf32>
      %parallel_loop3A_283 = vector.shape_cast %parallel_loop3A_278 : vector<16xf32> to vector<1x16xf32>
      tpu.vector_store %arg10[%parallel_loop3A_279, %parallel_loop3A_280], %parallel_loop3A_283 {add = true, strides = array<i32>} : memref<128x128xf32, #tpu.memory_space<vmem>>, vector<1x16xf32>,
      %parallel_loop3A_284 = arith.constant 128 : i32
      %parallel_loop3A_285 = arith.addi %parallel_loop3A_284, %parallel_loop3A_272 : i32
      %parallel_loop3A_286 = arith.index_cast %parallel_loop3A_285 : i32 to index
      %parallel_loop3A_287 = arith.constant 16 : index
      %parallel_loop3A_288 = tpu.vector_load %arg7[%parallel_loop3A_286, %parallel_loop3A_287] {strides = array<i32>} : memref<256x128xf32, #tpu.memory_space<vmem>>, vector<1x16xf32>,
      %parallel_loop3A_289 = vector.shape_cast %parallel_loop3A_288 : vector<1x16xf32> to vector<16xf32>
      %parallel_loop3A_290 = arith.index_cast %parallel_loop3A_272 : i32 to index
      %parallel_loop3A_291 = arith.constant 16 : index
      %parallel_loop3A_292 = tpu.vector_load %arg10[%parallel_loop3A_290, %parallel_loop3A_291] {strides = array<i32>} : memref<128x128xf32, #tpu.memory_space<vmem>>, vector<1x16xf32>,
      %parallel_loop3A_293 = vector.shape_cast %parallel_loop3A_292 : vector<1x16xf32> to vector<16xf32>
      %parallel_loop3A_294 = vector.shape_cast %parallel_loop3A_289 : vector<16xf32> to vector<1x16xf32>
      tpu.vector_store %arg10[%parallel_loop3A_290, %parallel_loop3A_291], %parallel_loop3A_294 {add = true, strides = array<i32>} : memref<128x128xf32, #tpu.memory_space<vmem>>, vector<1x16xf32>,
      %parallel_loop3A_295 = arith.constant 128 : i32
      %parallel_loop3A_296 = arith.addi %parallel_loop3A_295, %parallel_loop3A_272 : i32
      %parallel_loop3A_297 = arith.index_cast %parallel_loop3A_296 : i32 to index
      %parallel_loop3A_298 = arith.constant 32 : index
      %parallel_loop3A_299 = tpu.vector_load %arg7[%parallel_loop3A_297, %parallel_loop3A_298] {strides = array<i32>} : memref<256x128xf32, #tpu.memory_space<vmem>>, vector<1x16xf32>,
      %parallel_loop3A_300 = vector.shape_cast %parallel_loop3A_299 : vector<1x16xf32> to vector<16xf32>
      %parallel_loop3A_301 = arith.index_cast %parallel_loop3A_272 : i32 to index
      %parallel_loop3A_302 = arith.constant 32 : index
      %parallel_loop3A_303 = tpu.vector_load %arg10[%parallel_loop3A_301, %parallel_loop3A_302] {strides = array<i32>} : memref<128x128xf32, #tpu.memory_space<vmem>>, vector<1x16xf32>,
      %parallel_loop3A_304 = vector.shape_cast %parallel_loop3A_303 : vector<1x16xf32> to vector<16xf32>
      %parallel_loop3A_305 = vector.shape_cast %parallel_loop3A_300 : vector<16xf32> to vector<1x16xf32>
      tpu.vector_store %arg10[%parallel_loop3A_301, %parallel_loop3A_302], %parallel_loop3A_305 {add = true, strides = array<i32>} : memref<128x128xf32, #tpu.memory_space<vmem>>, vector<1x16xf32>,
      %parallel_loop3A_306 = arith.constant 128 : i32
      %parallel_loop3A_307 = arith.addi %parallel_loop3A_306, %parallel_loop3A_272 : i32
      %parallel_loop3A_308 = arith.index_cast %parallel_loop3A_307 : i32 to index
      %parallel_loop3A_309 = arith.constant 48 : index
      %parallel_loop3A_310 = tpu.vector_load %arg7[%parallel_loop3A_308, %parallel_loop3A_309] {strides = array<i32>} : memref<256x128xf32, #tpu.memory_space<vmem>>, vector<1x16xf32>,
      %parallel_loop3A_311 = vector.shape_cast %parallel_loop3A_310 : vector<1x16xf32> to vector<16xf32>
      %parallel_loop3A_312 = arith.index_cast %parallel_loop3A_272 : i32 to index
      %parallel_loop3A_313 = arith.constant 48 : index
      %parallel_loop3A_314 = tpu.vector_load %arg10[%parallel_loop3A_312, %parallel_loop3A_313] {strides = array<i32>} : memref<128x128xf32, #tpu.memory_space<vmem>>, vector<1x16xf32>,
      %parallel_loop3A_315 = vector.shape_cast %parallel_loop3A_314 : vector<1x16xf32> to vector<16xf32>
      %parallel_loop3A_316 = vector.shape_cast %parallel_loop3A_311 : vector<16xf32> to vector<1x16xf32>
      tpu.vector_store %arg10[%parallel_loop3A_312, %parallel_loop3A_313], %parallel_loop3A_316 {add = true, strides = array<i32>} : memref<128x128xf32, #tpu.memory_space<vmem>>, vector<1x16xf32>,
      %parallel_loop3A_317 = arith.constant 128 : i32
      %parallel_loop3A_318 = arith.addi %parallel_loop3A_317, %parallel_loop3A_272 : i32
      %parallel_loop3A_319 = arith.index_cast %parallel_loop3A_318 : i32 to index
      %parallel_loop3A_320 = arith.constant 64 : index
      %parallel_loop3A_321 = tpu.vector_load %arg7[%parallel_loop3A_319, %parallel_loop3A_320] {strides = array<i32>} : memref<256x128xf32, #tpu.memory_space<vmem>>, vector<1x16xf32>,
      %parallel_loop3A_322 = vector.shape_cast %parallel_loop3A_321 : vector<1x16xf32> to vector<16xf32>
      %parallel_loop3A_323 = arith.index_cast %parallel_loop3A_272 : i32 to index
      %parallel_loop3A_324 = arith.constant 64 : index
      %parallel_loop3A_325 = tpu.vector_load %arg10[%parallel_loop3A_323, %parallel_loop3A_324] {strides = array<i32>} : memref<128x128xf32, #tpu.memory_space<vmem>>, vector<1x16xf32>,
      %parallel_loop3A_326 = vector.shape_cast %parallel_loop3A_325 : vector<1x16xf32> to vector<16xf32>
      %parallel_loop3A_327 = vector.shape_cast %parallel_loop3A_322 : vector<16xf32> to vector<1x16xf32>
      tpu.vector_store %arg10[%parallel_loop3A_323, %parallel_loop3A_324], %parallel_loop3A_327 {add = true, strides = array<i32>} : memref<128x128xf32, #tpu.memory_space<vmem>>, vector<1x16xf32>,
      %parallel_loop3A_328 = arith.constant 128 : i32
      %parallel_loop3A_329 = arith.addi %parallel_loop3A_328, %parallel_loop3A_272 : i32
      %parallel_loop3A_330 = arith.index_cast %parallel_loop3A_329 : i32 to index
      %parallel_loop3A_331 = arith.constant 80 : index
      %parallel_loop3A_332 = tpu.vector_load %arg7[%parallel_loop3A_330, %parallel_loop3A_331] {strides = array<i32>} : memref<256x128xf32, #tpu.memory_space<vmem>>, vector<1x16xf32>,
      %parallel_loop3A_333 = vector.shape_cast %parallel_loop3A_332 : vector<1x16xf32> to vector<16xf32>
      %parallel_loop3A_334 = arith.index_cast %parallel_loop3A_272 : i32 to index
      %parallel_loop3A_335 = arith.constant 80 : index
      %parallel_loop3A_336 = tpu.vector_load %arg10[%parallel_loop3A_334, %parallel_loop3A_335] {strides = array<i32>} : memref<128x128xf32, #tpu.memory_space<vmem>>, vector<1x16xf32>,
      %parallel_loop3A_337 = vector.shape_cast %parallel_loop3A_336 : vector<1x16xf32> to vector<16xf32>
      %parallel_loop3A_338 = vector.shape_cast %parallel_loop3A_333 : vector<16xf32> to vector<1x16xf32>
      tpu.vector_store %arg10[%parallel_loop3A_334, %parallel_loop3A_335], %parallel_loop3A_338 {add = true, strides = array<i32>} : memref<128x128xf32, #tpu.memory_space<vmem>>, vector<1x16xf32>,
      %parallel_loop3A_339 = arith.constant 128 : i32
      %parallel_loop3A_340 = arith.addi %parallel_loop3A_339, %parallel_loop3A_272 : i32
      %parallel_loop3A_341 = arith.index_cast %parallel_loop3A_340 : i32 to index
      %parallel_loop3A_342 = arith.constant 96 : index
      %parallel_loop3A_343 = tpu.vector_load %arg7[%parallel_loop3A_341, %parallel_loop3A_342] {strides = array<i32>} : memref<256x128xf32, #tpu.memory_space<vmem>>, vector<1x16xf32>,
      %parallel_loop3A_344 = vector.shape_cast %parallel_loop3A_343 : vector<1x16xf32> to vector<16xf32>
      %parallel_loop3A_345 = arith.index_cast %parallel_loop3A_272 : i32 to index
      %parallel_loop3A_346 = arith.constant 96 : index
      %parallel_loop3A_347 = tpu.vector_load %arg10[%parallel_loop3A_345, %parallel_loop3A_346] {strides = array<i32>} : memref<128x128xf32, #tpu.memory_space<vmem>>, vector<1x16xf32>,
      %parallel_loop3A_348 = vector.shape_cast %parallel_loop3A_347 : vector<1x16xf32> to vector<16xf32>
      %parallel_loop3A_349 = vector.shape_cast %parallel_loop3A_344 : vector<16xf32> to vector<1x16xf32>
      tpu.vector_store %arg10[%parallel_loop3A_345, %parallel_loop3A_346], %parallel_loop3A_349 {add = true, strides = array<i32>} : memref<128x128xf32, #tpu.memory_space<vmem>>, vector<1x16xf32>,
      %parallel_loop3A_350 = arith.constant 128 : i32
      %parallel_loop3A_351 = arith.addi %parallel_loop3A_350, %parallel_loop3A_272 : i32
      %parallel_loop3A_352 = arith.index_cast %parallel_loop3A_351 : i32 to index
      %parallel_loop3A_353 = arith.constant 112 : index
      %parallel_loop3A_354 = tpu.vector_load %arg7[%parallel_loop3A_352, %parallel_loop3A_353] {strides = array<i32>} : memref<256x128xf32, #tpu.memory_space<vmem>>, vector<1x16xf32>,
      %parallel_loop3A_355 = vector.shape_cast %parallel_loop3A_354 : vector<1x16xf32> to vector<16xf32>
      %parallel_loop3A_356 = arith.index_cast %parallel_loop3A_272 : i32 to index
      %parallel_loop3A_357 = arith.constant 112 : index
      %parallel_loop3A_358 = tpu.vector_load %arg10[%parallel_loop3A_356, %parallel_loop3A_357] {strides = array<i32>} : memref<128x128xf32, #tpu.memory_space<vmem>>, vector<1x16xf32>,
      %parallel_loop3A_359 = vector.shape_cast %parallel_loop3A_358 : vector<1x16xf32> to vector<16xf32>
      %parallel_loop3A_360 = vector.shape_cast %parallel_loop3A_355 : vector<16xf32> to vector<1x16xf32>
      tpu.vector_store %arg10[%parallel_loop3A_356, %parallel_loop3A_357], %parallel_loop3A_360 {add = true, strides = array<i32>} : memref<128x128xf32, #tpu.memory_space<vmem>>, vector<1x16xf32>,
    } {sc.loop_unroll_factor = 1 : i64, sc.parallel_access}
    %add3A_228 = arith.constant 128 : i32
    %add3A_229 = arith.addi %mul3A_2, %add3A_228 : i32
    %dma_start3A_230 = arith.constant 3 : i32
    %dma_start3A_231 = arith.constant 0 : i32
    %dma_start3A_232 = tpu.memref_slice %arg5[%dma_start3A_230, %add3A_229, %dma_start3A_231] : memref<4x8192x128xf32, #tpu.memory_space<hbm>> -> memref<1x128x128xf32, #tpu.memory_space<hbm>>
    %dma_start3A_233 = tpu.memref_squeeze %dma_start3A_232 : memref<1x128x128xf32, #tpu.memory_space<hbm>> -> memref<128x128xf32, #tpu.memory_space<hbm>>
    %dma_start3A_234 = arith.constant 0 : i32
    %dma_start3A_235 = tpu.memref_slice %arg5[%dma_start3A_230, %add3A_229, %dma_start3A_234] : memref<4x8192x128xf32, #tpu.memory_space<hbm>> -> memref<1x128x128xf32, #tpu.memory_space<hbm>>
    %dma_start3A_236 = tpu.memref_squeeze %dma_start3A_235 : memref<1x128x128xf32, #tpu.memory_space<hbm>> -> memref<128x128xf32, #tpu.memory_space<hbm>>
    tpu.enqueue_dma source(%arg10 : memref<128x128xf32, #tpu.memory_space<vmem>>) target(%dma_start3A_236 : memref<128x128xf32, #tpu.memory_space<hbm>>) target_semaphore(%arg21 : memref<!tpu.dma_semaphore, #tpu.memory_space<semaphore_mem>>)
    %dma_wait3A_237 = arith.constant 1 : i32
    %dma_wait3A_238 = arith.constant 0 : i32
    %dma_wait3A_239 = tpu.memref_slice %arg5[%dma_wait3A_237, %add3A_139, %dma_wait3A_238] : memref<4x8192x128xf32, #tpu.memory_space<hbm>> -> memref<1x128x128xf32, #tpu.memory_space<hbm>>
    %dma_wait3A_240 = tpu.memref_squeeze %dma_wait3A_239 : memref<1x128x128xf32, #tpu.memory_space<hbm>> -> memref<128x128xf32, #tpu.memory_space<hbm>>
    %dma_wait3A_241 = arith.constant 0 : i32
    %dma_wait3A_242 = tpu.memref_slice %arg5[%dma_wait3A_237, %add3A_139, %dma_wait3A_241] : memref<4x8192x128xf32, #tpu.memory_space<hbm>> -> memref<1x128x128xf32, #tpu.memory_space<hbm>>
    %dma_wait3A_243 = tpu.memref_squeeze %dma_wait3A_242 : memref<1x128x128xf32, #tpu.memory_space<hbm>> -> memref<128x128xf32, #tpu.memory_space<hbm>>
    tpu.wait_dma2 semaphore(%arg22 : memref<!tpu.dma_semaphore, #tpu.memory_space<semaphore_mem>>) src(%arg11 : memref<128x128xf32, #tpu.memory_space<vmem>>) dst(%dma_wait3A_243 : memref<128x128xf32, #tpu.memory_space<hbm>>)
    %dma_wait3A_244 = arith.constant 2 : i32
    %dma_wait3A_245 = arith.constant 0 : i32
    %dma_wait3A_246 = tpu.memref_slice %arg5[%dma_wait3A_244, %add3A_172, %dma_wait3A_245] : memref<4x8192x128xf32, #tpu.memory_space<hbm>> -> memref<1x128x128xf32, #tpu.memory_space<hbm>>
    %dma_wait3A_247 = tpu.memref_squeeze %dma_wait3A_246 : memref<1x128x128xf32, #tpu.memory_space<hbm>> -> memref<128x128xf32, #tpu.memory_space<hbm>>
    %dma_wait3A_248 = arith.constant 0 : i32
    %dma_wait3A_249 = tpu.memref_slice %arg5[%dma_wait3A_244, %add3A_172, %dma_wait3A_248] : memref<4x8192x128xf32, #tpu.memory_space<hbm>> -> memref<1x128x128xf32, #tpu.memory_space<hbm>>
    %dma_wait3A_250 = tpu.memref_squeeze %dma_wait3A_249 : memref<1x128x128xf32, #tpu.memory_space<hbm>> -> memref<128x128xf32, #tpu.memory_space<hbm>>
    tpu.wait_dma2 semaphore(%arg23 : memref<!tpu.dma_semaphore, #tpu.memory_space<semaphore_mem>>) src(%arg12 : memref<128x128xf32, #tpu.memory_space<vmem>>) dst(%dma_wait3A_250 : memref<128x128xf32, #tpu.memory_space<hbm>>)
    %dma_wait3A_251 = arith.constant 2 : i32
    %dma_wait3A_252 = arith.constant 0 : i32
    %dma_wait3A_253 = tpu.memref_slice %arg5[%dma_wait3A_251, %add3A_191, %dma_wait3A_252] : memref<4x8192x128xf32, #tpu.memory_space<hbm>> -> memref<1x128x128xf32, #tpu.memory_space<hbm>>
    %dma_wait3A_254 = tpu.memref_squeeze %dma_wait3A_253 : memref<1x128x128xf32, #tpu.memory_space<hbm>> -> memref<128x128xf32, #tpu.memory_space<hbm>>
    %dma_wait3A_255 = arith.constant 0 : i32
    %dma_wait3A_256 = tpu.memref_slice %arg5[%dma_wait3A_251, %add3A_191, %dma_wait3A_255] : memref<4x8192x128xf32, #tpu.memory_space<hbm>> -> memref<1x128x128xf32, #tpu.memory_space<hbm>>
    %dma_wait3A_257 = tpu.memref_squeeze %dma_wait3A_256 : memref<1x128x128xf32, #tpu.memory_space<hbm>> -> memref<128x128xf32, #tpu.memory_space<hbm>>
    tpu.wait_dma2 semaphore(%arg19 : memref<!tpu.dma_semaphore, #tpu.memory_space<semaphore_mem>>) src(%arg8 : memref<128x128xf32, #tpu.memory_space<vmem>>) dst(%dma_wait3A_257 : memref<128x128xf32, #tpu.memory_space<hbm>>)
    %dma_wait3A_258 = arith.constant 3 : i32
    %dma_wait3A_259 = arith.constant 0 : i32
    %dma_wait3A_260 = tpu.memref_slice %arg5[%dma_wait3A_258, %add3A_210, %dma_wait3A_259] : memref<4x8192x128xf32, #tpu.memory_space<hbm>> -> memref<1x128x128xf32, #tpu.memory_space<hbm>>
    %dma_wait3A_261 = tpu.memref_squeeze %dma_wait3A_260 : memref<1x128x128xf32, #tpu.memory_space<hbm>> -> memref<128x128xf32, #tpu.memory_space<hbm>>
    %dma_wait3A_262 = arith.constant 0 : i32
    %dma_wait3A_263 = tpu.memref_slice %arg5[%dma_wait3A_258, %add3A_210, %dma_wait3A_262] : memref<4x8192x128xf32, #tpu.memory_space<hbm>> -> memref<1x128x128xf32, #tpu.memory_space<hbm>>
    %dma_wait3A_264 = tpu.memref_squeeze %dma_wait3A_263 : memref<1x128x128xf32, #tpu.memory_space<hbm>> -> memref<128x128xf32, #tpu.memory_space<hbm>>
    tpu.wait_dma2 semaphore(%arg20 : memref<!tpu.dma_semaphore, #tpu.memory_space<semaphore_mem>>) src(%arg9 : memref<128x128xf32, #tpu.memory_space<vmem>>) dst(%dma_wait3A_264 : memref<128x128xf32, #tpu.memory_space<hbm>>)
    %dma_wait3A_265 = arith.constant 3 : i32
    %dma_wait3A_266 = arith.constant 0 : i32
    %dma_wait3A_267 = tpu.memref_slice %arg5[%dma_wait3A_265, %add3A_229, %dma_wait3A_266] : memref<4x8192x128xf32, #tpu.memory_space<hbm>> -> memref<1x128x128xf32, #tpu.memory_space<hbm>>
    %dma_wait3A_268 = tpu.memref_squeeze %dma_wait3A_267 : memref<1x128x128xf32, #tpu.memory_space<hbm>> -> memref<128x128xf32, #tpu.memory_space<hbm>>
    %dma_wait3A_269 = arith.constant 0 : i32
    %dma_wait3A_270 = tpu.memref_slice %arg5[%dma_wait3A_265, %add3A_229, %dma_wait3A_269] : memref<4x8192x128xf32, #tpu.memory_space<hbm>> -> memref<1x128x128xf32, #tpu.memory_space<hbm>>
    %dma_wait3A_271 = tpu.memref_squeeze %dma_wait3A_270 : memref<1x128x128xf32, #tpu.memory_space<hbm>> -> memref<128x128xf32, #tpu.memory_space<hbm>>
    tpu.wait_dma2 semaphore(%arg21 : memref<!tpu.dma_semaphore, #tpu.memory_space<semaphore_mem>>) src(%arg10 : memref<128x128xf32, #tpu.memory_space<vmem>>) dst(%dma_wait3A_271 : memref<128x128xf32, #tpu.memory_space<hbm>>)
    return
  }
}

</mosaic_0001>

<sc_bundles>
// kernel: _emb.3.cloned.1.call-start
scs
__scs_entry_jumppad:
0x0: {  	(pc) =	sbr.rel $0x88, $3  }
0x1: {  	(tag) =	ssettag $0x0;
	lr =	simm.s32 $0x1  }
0x2: {  	[smem:$0x3F9E] =	sst lr;
	_ =	strace $0xD0000000  }
0x3: {  	_ = 	snop  }
0x4: {  	_ = 	snop  }
0x5: {  	_ = 	snop  }
0x6: {  	_ = 	snop  }
0x7: {  	_ = 	snop  }
__scs_overlays_trampoline_lowered:
0x8: {  	[smem:$0x3FAD] =	sst s0  }
0x9: {  	[smem:$0x3FAE] =	sst s1  }
0xa: {  	[smem:$0x3FAF] =	sst s2  }
0xb: {  	[smem:$0x3FB0] =	sst s3  }
0xc: {  	[smem:$0x3FB1] =	sst s4  }
0xd: {  	[smem:$0x3FB2] =	sst s5  }
0xe: {  	[smem:$0x3FB3] =	sst s6  }
0xf: {  	[smem:$0x3FB4] =	sst s7  }
0x10: {  	[smem:$0x3FB5] =	sst s8  }
0x11: {  	[smem:$0x3FB6] =	sst s9;
	s0 =	simm.s32 @!p0 $0x0  }
0x12: {  	s1 =	sld [smem:$0x3F9C];
	s0 =	simm.s32 @p0 $0x1  }
0x13: {  	[smem:$0x3FB7] =	sst s0;
	s0 =	simm.s32 @!p1 $0x0  }
0x14: {  	s2 =	sld [smem:$0x3F9B];
	s0 =	simm.s32 @p1 $0x1  }
0x15: {  	[smem:$0x3FB8] =	sst s0;
	s0 =	simm.s32 @!p2 $0x0  }
0x16: {  	s3 =	sld [smem:$0x3FDB];
	s0 =	simm.s32 @p2 $0x1  }
0x17: {  	s4 =	simm.s32 $0x1BF5;
	[smem:$0x3FBA] =	sst s0  }
0x18: {  	s0 =	sld [smem:$0x3F9D];
	_ =	swait.ge [sflag:s4], $0x0  }
0x19: {  	s7 =	sld [smem:$0x3F9E]  }
0x1a: {  	s8 =	sadd.s32 $0xFFFFE003, lr  }
0x1b: {  	s9 =	sadd.s32 $0xFFFFFEF7, lr;
	s5 =	simm.s32 $0xFFFFFFFF;
	p2 =	slt.u32 s8, $0xFFFFF086  }
0x1c: {  	p1 =	slt.u32 s9, $0xF7A;
	s5 =	simm.s32 @!p2 $0x0  }
0x1d: {  	s5 =	simm.s32 @p1 $0x1;
	p0 =	seq.s32 s7, s2  }
0x1e: {  	s7 =	smul.u32 @!p0 $0xF7A, s2;
	p2 =	seq.s32 @!p0 s5, $0x0  }
0x1f: {  	s9 =	smul.u32 $0xF7A, s1;
	s8 =	simm.s32 @!p0 $0x1BF5;
	p2 =	por !p2, p0  }
0x20: {  	[sflag:s8] =	ssyncset.s32 @!p0 $0xFFFFF086;
	s6 =	sadd.s32 @!p0 s3, s7;
	s7 =	simm.s32 @!p0 $0x108  }
0x21: {  	s3 =	sadd.s32 s3, s9;
	s6 =	sadd.s32 @!p0 $0x88, s6;
	s7 =	simm.s32 @p2 $0x1082  }
0x22: {  	[simem:s7], [sflag:s8] =	dma.local @!p0 [hbm:s6], $0xF7A  }
0x23: {  	s9 =	sor.u32 $0xD0000000, s2;
	s6 =	simm.s32 $0x108;
	_ =	swait.ge @!p0 [sflag:s8], $0x0  }
0x24: {  	s3 =	sadd.s32 $0x88, s3;
	s6 =	simm.s32 @!p1 $0x1082;
	[sflag:s4] =	ssyncset.s32 $0xFFFFF086  }
0x25: {  	[simem:s6], [sflag:s4] =	dma.local [hbm:s3], $0xF7A  }
0x26: {  	[smem:$0x3F9E] =	sst s1;
	(tag) =	ssettag s2;
	_ =	strace s9  }
0x27: {  	s1 =	sld [smem:$0x3FAE]  }
0x28: {  	s2 =	sld [smem:$0x3FAF]  }
0x29: {  	s4 =	sld [smem:$0x3FB1]  }
0x2a: {  	p0 =	seq.s32 s5, $0x0;
	s5 =	sld [smem:$0x3FB2]  }
0x2b: {  	s6 =	sld [smem:$0x3FB3]  }
0x2c: {  	s7 =	sld [smem:$0x3FB4]  }
0x2d: {  	s3 =	simm.s32 $0x108;
	s8 =	sld [smem:$0x3FB5]  }
0x2e: {  	s3 =	simm.s32 @!p0 $0x1082;
	s9 =	sld [smem:$0x3FB6]  }
0x2f: {  	lr =	sadd.s32 s0, s3;
	s0 =	sld [smem:$0x3FAD]  }
0x30: {  	s3 =	sld [smem:$0x3FB0]  }
0x31: {  	[smem:$0x3FB9] =	sst s10  }
0x32: {  	s10 =	sld [smem:$0x3FB7];
	_ =	sdelay $0x3  }
0x33: {  	p0 =	seq.s32 s10, $0x1;
	s10 =	sld [smem:$0x3FB9];
	_ =	sdelay $0x3  }
0x34: {  	[smem:$0x3FB9] =	sst s10  }
0x35: {  	s10 =	sld [smem:$0x3FB8];
	_ =	sdelay $0x3  }
0x36: {  	p1 =	seq.s32 s10, $0x1;
	s10 =	sld [smem:$0x3FB9];
	_ =	sdelay $0x3  }
0x37: {  	[smem:$0x3FB9] =	sst s10  }
0x38: {  	s10 =	sld [smem:$0x3FBA]  }
0x39: {  	_ = 	snop;
	(pc) =	sbr.ind lr, $3  }
0x3a: {  	_ = 	snop  }
0x3b: {  	_ = 	snop  }
0x3c: {  	p2 =	seq.s32 s10, $0x1;
	s10 =	sld [smem:$0x3FB9]  }
0x3d: {  	_ =	shalt  }
0x3e: {  	_ =	shalt  }
0x3f: {  	_ =	shalt  }
0x40: {  	_ =	shalt  }
0x41: {  	_ =	shalt  }
0x42: {  	_ =	shalt  }
0x43: {  	_ =	shalt  }
0x44: {  	_ =	shalt  }
0x45: {  	_ =	shalt  }
0x46: {  	_ =	shalt  }
0x47: {  	_ =	shalt  }
0x48: {  	_ =	shalt  }
0x49: {  	_ =	shalt  }
0x4a: {  	_ =	shalt  }
0x4b: {  	_ =	shalt  }
0x4c: {  	_ =	shalt  }
0x4d: {  	_ =	shalt  }
0x4e: {  	_ =	shalt  }
0x4f: {  	_ =	shalt  }
0x50: {  	_ =	shalt  }
0x51: {  	_ =	shalt  }
0x52: {  	_ =	shalt  }
0x53: {  	_ =	shalt  }
0x54: {  	_ =	shalt  }
0x55: {  	_ =	shalt  }
0x56: {  	_ =	shalt  }
0x57: {  	_ =	shalt  }
0x58: {  	_ =	shalt  }
0x59: {  	_ =	shalt  }
0x5a: {  	_ =	shalt  }
0x5b: {  	_ =	shalt  }
0x5c: {  	_ =	shalt  }
0x5d: {  	_ =	shalt  }
0x5e: {  	_ =	shalt  }
0x5f: {  	_ =	shalt  }
0x60: {  	_ =	shalt  }
0x61: {  	_ =	shalt  }
0x62: {  	_ =	shalt  }
0x63: {  	_ =	shalt  }
0x64: {  	_ =	shalt  }
0x65: {  	_ =	shalt  }
0x66: {  	_ =	shalt  }
0x67: {  	_ =	shalt  }
0x68: {  	_ =	shalt  }
0x69: {  	_ =	shalt  }
0x6a: {  	_ =	shalt  }
0x6b: {  	_ =	shalt  }
0x6c: {  	_ =	shalt  }
0x6d: {  	_ =	shalt  }
0x6e: {  	_ =	shalt  }
0x6f: {  	_ =	shalt  }
0x70: {  	_ =	shalt  }
0x71: {  	_ =	shalt  }
0x72: {  	_ =	shalt  }
0x73: {  	_ =	shalt  }
0x74: {  	_ =	shalt  }
0x75: {  	_ =	shalt  }
0x76: {  	_ =	shalt  }
0x77: {  	_ =	shalt  }
0x78: {  	_ =	shalt  }
0x79: {  	_ =	shalt  }
0x7a: {  	_ =	shalt  }
0x7b: {  	_ =	shalt  }
0x7c: {  	_ =	shalt  }
0x7d: {  	_ =	shalt  }
0x7e: {  	_ =	shalt  }
0x7f: {  	_ =	shalt  }
0x80: {  	_ =	shalt  }
0x81: {  	_ =	shalt  }
0x82: {  	_ =	shalt  }
0x83: {  	_ =	shalt  }
0x84: {  	_ =	shalt  }
0x85: {  	_ =	shalt  }
0x86: {  	_ =	shalt  }
0x87: {  	_ =	shalt  }
.Lfunc_end0:
.L_simem_size_0:
called_computation_lowered:
.L_overlay_start_0:
0x88: {  	s2 =	sld [smem:$0x3FD9]  }
0x89: {  	s3 =	sld [smem:$0x3FFE];
	_ =	sdelay $0x1  }
0x8a: {  	s1 =	srdreg.scid  }
0x8b: {  	s0 =	sand.u32 $0x1, s1  }
0x8c: {  	s18 =	sshll.u32 s0, $0xA;
	s2 =	sadd.s32 s3, s2  }
0x8d: {  	s2 =	sadd.s32 s2, s18  }
0x8e: {  	[smem:$0x3FC5] =	sst s2  }
0x8f: {  	_ = 	snop  }
0x90: {  	s2 =	sld [smem:$0x3FC9]  }
0x91: {  	s19 =	sld [smem:$0x3FC8]  }
0x92: {  	s4 =	sld [smem:$0x3FC7]  }
0x93: {  	s5 =	sld [smem:$0x3FD0];
	(tm) =	ssettm $0x1  }
0x94: {  	s6 =	sld [smem:$0x3FFB];
	_ =	sdelay $0x3  }
0x95: {  	_ =	strace s6  }
0x96: {  	s6 =	sld [smem:$0x3FFC];
	_ =	sdelay $0x3  }
0x97: {  	_ =	strace s6  }
0x98: {  	s6 =	sld [smem:$0x3FFD];
	_ =	sdelay $0x3  }
0x99: {  	_ =	strace s6  }
0x9a: {  	_ =	strace $0x8FFFFFFF  }
0x9b: {  	s20 =	sld [smem:$0x3FDB];
	_ =	sdelay $0x1  }
0x9c: {  	s7 =	simm.s32 $_scs_section_size  }
0x9d: {  	s8 =	simm.s32 $_size__tile_overlayer_lowered;
	s9 =	simm.s32 $_tile_overlayer_lowered  }
0x9e: {  	s23 =	simm.s32 $0x1BFF;
	s22 =	sshll.u32 s9, $0x1;
	s6 =	sadd.s32 s7, s20  }
0x9f: {  	s10 =	simm.s32 $0x0;
	s21 =	sshll.u32 s8, $0x1;
	s8 =	sadd.s32 s22, s6  }
0xa0: {  	[timem:s10], [sflag:s23] =	dma.local [hbm:s8], s21  }
0xa1: {  	_ =	swait.ge [sflag:s23], s21  }
0xa2: {  	s7 =	ssub.s32 $0x0, s21;
	[sflag:s23] =	ssyncset.done $0x0  }
0xa3: {  	[sflag:s23] =	ssyncadd.s32 s7;
	_ =	sdelay $0x1  }
0xa4: {  	s24 =	simm.s32 $0x1B8B  }
0xa5: {  	_ =	swait.ge [sflag:s24], $0x1  }
0xa6: {  	[sflag:s24] =	ssyncset.done $0x0  }
0xa7: {  	s25 =	simm.s32 $0x1B8E;
	[sflag:s24] =	ssyncadd.s32 $0xFFFFFFFF  }
0xa8: {  	s26 =	simm.s32 $execute0_lowered;
	[smem:$0x3FD2] =	sst s25  }
0xa9: {  	s7 =	sshll.u32 s26, $0x1;
	_ =	strace $0x80000046;
	[dreg:$0x1] =	wrdreg $0xFFFFFFFF  }
0xaa: {  	s28 =	simm.s32 $_size_execute0_lowered;
	s6 =	sadd.s32 s6, s7;
	[dreg:$0x0] =	wrdreg $0x0  }
0xab: {  	s7 =	sshll.u32 s28, $0x1;
	[dreg:$0x2] =	wrdreg s6  }
0xac: {  	[dreg:$0x3] =	wrdreg s7  }
0xad: {  	[dreg:$0x4] =	wrdreg $0xC0  }
0xae: {  	_ =	task [dreg:s10], $0x5FFFF  }
0xaf: {  	[dreg:$0x1] =	wrdreg $0xFFFFFFFF  }
0xb0: {  	[dreg:$0x0] =	wrdreg $0x60  }
0xb1: {  	[dreg:$0x2] =	wrdreg s2  }
0xb2: {  	[dreg:$0x3] =	wrdreg s19  }
0xb3: {  	[dreg:$0x4] =	wrdreg s4  }
0xb4: {  	[dreg:$0x5] =	wrdreg s5  }
0xb5: {  	[dreg:$0x6] =	wrdreg $0x9  }
0xb6: {  	_ =	task.clear_ibuf [dreg:s10], $0x7FFFF;
	_ =	strace $0x90000046  }
0xb7: {  	s29 =	simm.s32 $0x9;
	_ =	strace $0x80000048  }
0xb8: {  	_ =	swait.ge [sflag:s29], $0x1  }
0xb9: {  	[sflag:s29] =	ssyncadd.s32 $0xFFFFFFFF  }
0xba: {  	_ =	strace $0x90000048  }
0xbb: {  	_ =	sfence  }
0xbc: {  	s30 =	sld [smem:$0x0];
	_ =	sdelay $0x2  }
0xbd: {  	s31 =	sshll.u32 s1, $0xD;
	s1 =	sshrl.u32 s1, $0x2  }
0xbe: {  	s3 =	sand.u32 $0x4000, s31;
	s1 =	sadd.s32 s1, s30  }
0xbf: {  	s0 =	sor.u32 s3, s0;
	s1 =	sshll.u32 s1, $0x11  }
0xc0: {  	s0 =	sor.u32 s1, s0  }
0xc1: {  	s0 =	sadd.s32 $0x8F2B, s0  }
0xc2: {  	[sflag:s0] =	ssyncadd.remote.s32 $0x1  }
0xc3: {  	_ =	sfence.sel $0xFFFF  }
0xc4: {  	[dreg:$0x0] =	wrdreg $0xFFFFFFFF;
	(pc) =	sbr.abs _section_cstart, $3  }
0xc5: {  	[dreg:$0x1] =	wrdreg $0xFFFFFFFF  }
0xc6: {  	_ =	task.clear_ibuf [dreg:s10], $0x2FFFF;
	_ =	strace $0x9FFFFFFF  }
0xc7: {  	(tm) =	ssettm $0x7FFFFFFF  }
tec
execute0_lowered:
.L_overlay_start_1:
0x0: {  	(tag) =	ssettag $0x1  }
0x1: {  	s0 =	rddreg [dreg:$0x0]  }
0x2: {  	s1 =	rddreg [dreg:$0x1]  }
0x3: {  	s2 =	rddreg [dreg:$0x2]  }
0x4: {  	s4 =	rddreg [dreg:$0x3]  }
0x5: {  	s3 =	srdreg.scid;
	s6 =	stileid.u32  }
0x6: {  	s16 =	simm.s32 $0xC;
	s17 =	simm.s32 $0x80;
	s18 =	simm.s32 $0x8400  }
0x7: {  	s20 =	simm.s32 $0xC400;
	s21 =	simm.s32 $0x10400;
	s23 =	simm.s32 $0x14400  }
0x8: {  	s28 =	simm.s32 $0x2;
	s29 =	simm.s32 $0x3;
	s30 =	simm.s32 $0x4  }
0x9: {  	s31 =	simm.s32 $0x7;
	s15 =	simm.s32 $0x8;
	s22 =	simm.s32 $0x6  }
0xa: {  	s24 =	simm.s32 $0x9;
	s19 =	simm.s32 $0xA;
	s5 =	sand.u32 $0x1, s3  }
0xb: {  	s3 =	simm.s32 $0x0;
	s6 =	sshll.u32 s6, $0x9;
	s7 =	sshll.u32 s5, $0x8  }
0xc: {  	[smem:$0x7FF] =	sst s3;
	s5 =	ssub.s32 $0x2, s5;
	s6 =	sor.u32 s7, s6  }
0xd: {  	_ =	strace $0x80000047;
	s25 =	sshrl.u32 s5, $0x1;
	s8 =	sshll.u32 s6, $0x4  }
0xe: {  	s5 =	ssub.s32 s5, s25;
	s6 =	sshrl.u32 s6, $0x1;
	s25 =	simm.s32 $0x18400  }
0xf: {  	s4 =	sadd.s32 s4, s8;
	s2 =	sadd.s32 s2, s8;
	s0 =	sadd.s32 s0, s6  }
0x10: {  	s14 =	smax.u32 s5, $0x1;
	s5 =	simm.s32 $0x0;
	[dreg:$0x5] =	wrdreg s2  }
0x11: {  	[dreg:$0x6] =	wrdreg s0;
	s26 =	sadd.s32 $0x800, s4;
	s8 =	sadd.s32 $0x20000, s4  }
0x12: {  	s9 =	sadd.s32 $0x20800, s4;
	s10 =	sadd.s32 $0x40000, s4;
	s11 =	sadd.s32 $0x40800, s4  }
0x13: {  	s12 =	sadd.s32 $0x60000, s4;
	s13 =	sadd.s32 $0x60800, s4;
	s2 =	simm.s32 $0x5  }
0x14: {  	s0 =	simm.s32 $0xB;
	[dreg:$0x7] =	wrdreg s26;
	s26 =	simm.s32 $0x1  }
.LBB2_1:
0x15: {  	s6 =	rddreg [dreg:$0x5];
	s7 =	simm.s32 $0x400  }
0x16: {  	[tilespmem:s7], [sflag:$0x1] =	stream.linear.gather [hbm4b:s6+s3], $0x8000, $0x38;
	[tilespmem:$0x1C400] =	vst v63  }
0x17: {  	s7 =	rddreg [dreg:$0x6]  }
0x18: {  	[tilespmem:s3], [sflag:$0xC] =	stream.linear.gather [hbm4b:s7+s3], $0x400, $0x38;
	[tilespmem:$0x1C400] =	vst v63  }
0x19: {  	_ =	swait.ge [sflag:s16], $0x400  }
0x1a: {  	[sflag:s16] =	ssyncset.done $0x0  }
0x1b: {  	[sflag:s16] =	ssyncadd.s32 $0xFFFFFC00  }
0x1c: {  	[tilespmem:s18], [sflag:$0x2] =	stream.indirect.gather [hbm4b:s1+s17], $0x80, s3, s17, $0xb8;
	[tilespmem:$0x1C400] =	vst v63  }
0x1d: {  	s7 =	simm.s32 $0x200  }
0x1e: {  	[tilespmem:s20], [sflag:$0x3] =	stream.indirect.gather [hbm4b:s1+s17], $0x80, s7, s17, $0xb8;
	[tilespmem:$0x1C400] =	vst v63  }
0x1f: {  	_ = 	snop  }
0x20: {  	[tilespmem:s21], [sflag:$0x4] =	stream.indirect.gather [hbm4b:s1+s17], $0x80, s17, s17, $0xb8;
	[tilespmem:$0x1C400] =	vst v63  }
0x21: {  	s7 =	simm.s32 $0x280  }
0x22: {  	[tilespmem:s23], [sflag:$0x5] =	stream.indirect.gather [hbm4b:s1+s17], $0x80, s7, s17, $0xb8;
	[tilespmem:$0x1C400] =	vst v63  }
0x23: {  	s7 =	simm.s32 $0x100  }
0x24: {  	[tilespmem:s25], [sflag:$0x6] =	stream.indirect.gather [hbm4b:s1+s17], $0x80, s7, s17, $0xb8;
	[tilespmem:$0x1C400] =	vst v63  }
0x25: {  	_ =	swait.ge [sflag:s26], $0x8000  }
0x26: {  	[sflag:s26] =	ssyncset.done $0x0  }
0x27: {  	[sflag:s26] =	ssyncadd.s32 $0xFFFF8000  }
0x28: {  	_ =	swait.ge [sflag:s28], $0x4000  }
0x29: {  	[sflag:s28] =	ssyncset.done $0x0  }
0x2a: {  	s6 =	simm.s32 $0x0;
	s7 =	simm.s32 $0x200;
	[sflag:s28] =	ssyncadd.s32 $0xFFFFC000  }
.LBB2_2:
0x2b: {  	p0 =	sne.s32 s7, $0xFE00;
	v0 =	vld [tilespmem:s6+$0x470]  }
0x2c: {  	v1 =	vld [tilespmem:s6+$0x400]  }
0x2d: {  	v2 =	vld [tilespmem:s6+$0x410]  }
0x2e: {  	v3 =	vld [tilespmem:s6+$0x420]  }
0x2f: {  	v4 =	vld [tilespmem:s6+$0x430]  }
0x30: {  	[tilespmem:s6+$0x8470] =	vst.add.f32.msk $0xffff, v0  }
0x31: {  	v0 =	vld [tilespmem:s6+$0x440]  }
0x32: {  	v5 =	vld [tilespmem:s6+$0x450]  }
0x33: {  	v6 =	vld [tilespmem:s6+$0x460]  }
0x34: {  	[tilespmem:s6+$0x8400] =	vst.add.f32.msk $0xffff, v1  }
0x35: {  	[tilespmem:s6+$0x8410] =	vst.add.f32.msk $0xffff, v2  }
.Ltmp0:
0x36: {  	[tilespmem:s6+$0x8420] =	vst.add.f32.msk $0xffff, v3;
	(pc) =	sbr.rel @p0 .LBB2_2-.Ltmp0, $4  }
0x37: {  	[tilespmem:s6+$0x8430] =	vst.add.f32.msk $0xffff, v4  }
0x38: {  	[tilespmem:s6+$0x8440] =	vst.add.f32.msk $0xffff, v0  }
0x39: {  	[tilespmem:s6+$0x8450] =	vst.add.f32.msk $0xffff, v5  }
0x3a: {  	[tilespmem:s6+$0x8460] =	vst.add.f32.msk $0xffff, v6;
	s6 =	sshra.s32 s7, $0x2;
	s7 =	sadd.s32 $0x200, s7  }
0x3b: {  	v0 =	vld [tilespmem:s6+$0x470]  }
0x3c: {  	v1 =	vld [tilespmem:s6+$0x400]  }
0x3d: {  	v2 =	vld [tilespmem:s6+$0x410]  }
0x3e: {  	v3 =	vld [tilespmem:s6+$0x420]  }
0x3f: {  	v4 =	vld [tilespmem:s6+$0x430]  }
0x40: {  	v63 =	vld [tilespmem:s6+$0x440]  }
0x41: {  	v5 =	vld [tilespmem:s6+$0x450]  }
0x42: {  	v6 =	vld [tilespmem:s6+$0x460]  }
0x43: {  	[tilespmem:s6+$0x8470] =	vst.add.f32.msk $0xffff, v0  }
0x44: {  	[tilespmem:s6+$0x8400] =	vst.add.f32.msk $0xffff, v1  }
0x45: {  	[tilespmem:s6+$0x8410] =	vst.add.f32.msk $0xffff, v2  }
0x46: {  	[tilespmem:s6+$0x8420] =	vst.add.f32.msk $0xffff, v3  }
0x47: {  	[tilespmem:s6+$0x8430] =	vst.add.f32.msk $0xffff, v4  }
0x48: {  	[tilespmem:s6+$0x8440] =	vst.add.f32.msk $0xffff, v63  }
0x49: {  	[tilespmem:s6+$0x8450] =	vst.add.f32.msk $0xffff, v5  }
0x4a: {  	s7 =	simm.s32 $0x0;
	[tilespmem:s6+$0x8460] =	vst.add.f32.msk $0xffff, v6  }
0x4b: {  	[hbm4b:s4+s7] =	stream.linear.scatter [tilespmem:s18], [sflag:$0x7], $0x4000, $0x38;
	[tilespmem:$0x1C400] =	vst v63  }
0x4c: {  	_ =	swait.ge [sflag:s29], $0x4000  }
0x4d: {  	[sflag:s29] =	ssyncset.done $0x0  }
0x4e: {  	s6 =	simm.s32 $0x0;
	s7 =	simm.s32 $0x200;
	[sflag:s29] =	ssyncadd.s32 $0xFFFFC000  }
.LBB2_4:
0x4f: {  	p0 =	sne.s32 s7, $0xFE00;
	v0 =	vld [tilespmem:s6+$0x4470]  }
0x50: {  	v1 =	vld [tilespmem:s6+$0x4400]  }
0x51: {  	v2 =	vld [tilespmem:s6+$0x4410]  }
0x52: {  	v3 =	vld [tilespmem:s6+$0x4420]  }
0x53: {  	v4 =	vld [tilespmem:s6+$0x4430]  }
0x54: {  	[tilespmem:s6+$0xC470] =	vst.add.f32.msk $0xffff, v0  }
0x55: {  	v0 =	vld [tilespmem:s6+$0x4440]  }
0x56: {  	v5 =	vld [tilespmem:s6+$0x4450]  }
0x57: {  	v6 =	vld [tilespmem:s6+$0x4460]  }
0x58: {  	[tilespmem:s6+$0xC400] =	vst.add.f32.msk $0xffff, v1  }
0x59: {  	[tilespmem:s6+$0xC410] =	vst.add.f32.msk $0xffff, v2  }
.Ltmp1:
0x5a: {  	[tilespmem:s6+$0xC420] =	vst.add.f32.msk $0xffff, v3;
	(pc) =	sbr.rel @p0 .LBB2_4-.Ltmp1, $4  }
0x5b: {  	[tilespmem:s6+$0xC430] =	vst.add.f32.msk $0xffff, v4  }
0x5c: {  	[tilespmem:s6+$0xC440] =	vst.add.f32.msk $0xffff, v0  }
0x5d: {  	[tilespmem:s6+$0xC450] =	vst.add.f32.msk $0xffff, v5  }
0x5e: {  	[tilespmem:s6+$0xC460] =	vst.add.f32.msk $0xffff, v6;
	s6 =	sshra.s32 s7, $0x2;
	s7 =	sadd.s32 $0x200, s7  }
0x5f: {  	v0 =	vld [tilespmem:s6+$0x4470]  }
0x60: {  	v1 =	vld [tilespmem:s6+$0x4400]  }
0x61: {  	v2 =	vld [tilespmem:s6+$0x4410]  }
0x62: {  	v3 =	vld [tilespmem:s6+$0x4420]  }
0x63: {  	v4 =	vld [tilespmem:s6+$0x4430]  }
0x64: {  	v63 =	vld [tilespmem:s6+$0x4440]  }
0x65: {  	v5 =	vld [tilespmem:s6+$0x4450]  }
0x66: {  	v6 =	vld [tilespmem:s6+$0x4460]  }
0x67: {  	[tilespmem:s6+$0xC470] =	vst.add.f32.msk $0xffff, v0  }
0x68: {  	[tilespmem:s6+$0xC400] =	vst.add.f32.msk $0xffff, v1  }
0x69: {  	[tilespmem:s6+$0xC410] =	vst.add.f32.msk $0xffff, v2  }
0x6a: {  	[tilespmem:s6+$0xC420] =	vst.add.f32.msk $0xffff, v3  }
0x6b: {  	[tilespmem:s6+$0xC430] =	vst.add.f32.msk $0xffff, v4  }
0x6c: {  	[tilespmem:s6+$0xC440] =	vst.add.f32.msk $0xffff, v63  }
0x6d: {  	[tilespmem:s6+$0xC450] =	vst.add.f32.msk $0xffff, v5  }
0x6e: {  	[tilespmem:s6+$0xC460] =	vst.add.f32.msk $0xffff, v6  }
0x6f: {  	s6 =	simm.s32 $0x0;
	s7 =	rddreg [dreg:$0x7]  }
0x70: {  	[hbm4b:s7+s6] =	stream.linear.scatter [tilespmem:s20], [sflag:$0x8], $0x4000, $0x38;
	[tilespmem:$0x1C400] =	vst v63  }
0x71: {  	_ =	swait.ge [sflag:s30], $0x4000  }
0x72: {  	[sflag:s30] =	ssyncset.done $0x0  }
0x73: {  	[sflag:s30] =	ssyncadd.s32 $0xFFFFC000  }
0x74: {  	_ =	swait.ge [sflag:s31], $0x4000  }
0x75: {  	[sflag:s31] =	ssyncset.done $0x0  }
0x76: {  	s7 =	simm.s32 $0x300;
	[sflag:s31] =	ssyncadd.s32 $0xFFFFC000  }
0x77: {  	[tilespmem:s18], [sflag:$0x2] =	stream.indirect.gather [hbm4b:s1+s17], $0x80, s7, s17, $0xb8;
	[tilespmem:$0x1C400] =	vst v63  }
0x78: {  	s6 =	simm.s32 $0x0;
	s7 =	simm.s32 $0x200  }
.LBB2_6:
0x79: {  	p0 =	sne.s32 s7, $0xFE00;
	v0 =	vld [tilespmem:s6+$0x470]  }
0x7a: {  	v1 =	vld [tilespmem:s6+$0x400]  }
0x7b: {  	v2 =	vld [tilespmem:s6+$0x410]  }
0x7c: {  	v3 =	vld [tilespmem:s6+$0x420]  }
0x7d: {  	v4 =	vld [tilespmem:s6+$0x430]  }
0x7e: {  	[tilespmem:s6+$0x10470] =	vst.add.f32.msk $0xffff, v0  }
0x7f: {  	v0 =	vld [tilespmem:s6+$0x440]  }
0x80: {  	v5 =	vld [tilespmem:s6+$0x450]  }
0x81: {  	v6 =	vld [tilespmem:s6+$0x460]  }
0x82: {  	[tilespmem:s6+$0x10400] =	vst.add.f32.msk $0xffff, v1  }
0x83: {  	[tilespmem:s6+$0x10410] =	vst.add.f32.msk $0xffff, v2  }
.Ltmp2:
0x84: {  	[tilespmem:s6+$0x10420] =	vst.add.f32.msk $0xffff, v3;
	(pc) =	sbr.rel @p0 .LBB2_6-.Ltmp2, $4  }
0x85: {  	[tilespmem:s6+$0x10430] =	vst.add.f32.msk $0xffff, v4  }
0x86: {  	[tilespmem:s6+$0x10440] =	vst.add.f32.msk $0xffff, v0  }
0x87: {  	[tilespmem:s6+$0x10450] =	vst.add.f32.msk $0xffff, v5  }
0x88: {  	[tilespmem:s6+$0x10460] =	vst.add.f32.msk $0xffff, v6;
	s6 =	sshra.s32 s7, $0x2;
	s7 =	sadd.s32 $0x200, s7  }
0x89: {  	v0 =	vld [tilespmem:s6+$0x470]  }
0x8a: {  	v1 =	vld [tilespmem:s6+$0x400]  }
0x8b: {  	v2 =	vld [tilespmem:s6+$0x410]  }
0x8c: {  	v3 =	vld [tilespmem:s6+$0x420]  }
0x8d: {  	v4 =	vld [tilespmem:s6+$0x430]  }
0x8e: {  	v63 =	vld [tilespmem:s6+$0x440]  }
0x8f: {  	v5 =	vld [tilespmem:s6+$0x450]  }
0x90: {  	v6 =	vld [tilespmem:s6+$0x460]  }
0x91: {  	[tilespmem:s6+$0x10470] =	vst.add.f32.msk $0xffff, v0  }
0x92: {  	[tilespmem:s6+$0x10400] =	vst.add.f32.msk $0xffff, v1  }
0x93: {  	[tilespmem:s6+$0x10410] =	vst.add.f32.msk $0xffff, v2  }
0x94: {  	[tilespmem:s6+$0x10420] =	vst.add.f32.msk $0xffff, v3  }
0x95: {  	[tilespmem:s6+$0x10430] =	vst.add.f32.msk $0xffff, v4  }
0x96: {  	[tilespmem:s6+$0x10440] =	vst.add.f32.msk $0xffff, v63  }
0x97: {  	[tilespmem:s6+$0x10450] =	vst.add.f32.msk $0xffff, v5  }
0x98: {  	s7 =	simm.s32 $0x0;
	[tilespmem:s6+$0x10460] =	vst.add.f32.msk $0xffff, v6  }
0x99: {  	[hbm4b:s8+s7] =	stream.linear.scatter [tilespmem:s21], [sflag:$0x9], $0x4000, $0x38;
	[tilespmem:$0x1C400] =	vst v63  }
0x9a: {  	_ =	swait.ge [sflag:s2], $0x4000  }
0x9b: {  	[sflag:s2] =	ssyncset.done $0x0  }
0x9c: {  	[sflag:s2] =	ssyncadd.s32 $0xFFFFC000  }
0x9d: {  	_ =	swait.ge [sflag:s15], $0x4000  }
0x9e: {  	[sflag:s15] =	ssyncset.done $0x0  }
0x9f: {  	s7 =	simm.s32 $0x180;
	[sflag:s15] =	ssyncadd.s32 $0xFFFFC000  }
0xa0: {  	[tilespmem:s20], [sflag:$0x3] =	stream.indirect.gather [hbm4b:s1+s17], $0x80, s7, s17, $0xb8;
	[tilespmem:$0x1C400] =	vst v63  }
0xa1: {  	s6 =	simm.s32 $0x0;
	s7 =	simm.s32 $0x200  }
.LBB2_8:
0xa2: {  	p0 =	sne.s32 s7, $0xFE00;
	v0 =	vld [tilespmem:s6+$0x4470]  }
0xa3: {  	v1 =	vld [tilespmem:s6+$0x4400]  }
0xa4: {  	v2 =	vld [tilespmem:s6+$0x4410]  }
0xa5: {  	v3 =	vld [tilespmem:s6+$0x4420]  }
0xa6: {  	v4 =	vld [tilespmem:s6+$0x4430]  }
0xa7: {  	[tilespmem:s6+$0x14470] =	vst.add.f32.msk $0xffff, v0  }
0xa8: {  	v0 =	vld [tilespmem:s6+$0x4440]  }
0xa9: {  	v5 =	vld [tilespmem:s6+$0x4450]  }
0xaa: {  	v6 =	vld [tilespmem:s6+$0x4460]  }
0xab: {  	[tilespmem:s6+$0x14400] =	vst.add.f32.msk $0xffff, v1  }
0xac: {  	[tilespmem:s6+$0x14410] =	vst.add.f32.msk $0xffff, v2  }
.Ltmp3:
0xad: {  	[tilespmem:s6+$0x14420] =	vst.add.f32.msk $0xffff, v3;
	(pc) =	sbr.rel @p0 .LBB2_8-.Ltmp3, $4  }
0xae: {  	[tilespmem:s6+$0x14430] =	vst.add.f32.msk $0xffff, v4  }
0xaf: {  	[tilespmem:s6+$0x14440] =	vst.add.f32.msk $0xffff, v0  }
0xb0: {  	[tilespmem:s6+$0x14450] =	vst.add.f32.msk $0xffff, v5  }
0xb1: {  	[tilespmem:s6+$0x14460] =	vst.add.f32.msk $0xffff, v6;
	s6 =	sshra.s32 s7, $0x2;
	s7 =	sadd.s32 $0x200, s7  }
0xb2: {  	v0 =	vld [tilespmem:s6+$0x4470]  }
0xb3: {  	v1 =	vld [tilespmem:s6+$0x4400]  }
0xb4: {  	v2 =	vld [tilespmem:s6+$0x4410]  }
0xb5: {  	v3 =	vld [tilespmem:s6+$0x4420]  }
0xb6: {  	v4 =	vld [tilespmem:s6+$0x4430]  }
0xb7: {  	v63 =	vld [tilespmem:s6+$0x4440]  }
0xb8: {  	v5 =	vld [tilespmem:s6+$0x4450]  }
0xb9: {  	v6 =	vld [tilespmem:s6+$0x4460]  }
0xba: {  	[tilespmem:s6+$0x14470] =	vst.add.f32.msk $0xffff, v0  }
0xbb: {  	[tilespmem:s6+$0x14400] =	vst.add.f32.msk $0xffff, v1  }
0xbc: {  	[tilespmem:s6+$0x14410] =	vst.add.f32.msk $0xffff, v2  }
0xbd: {  	[tilespmem:s6+$0x14420] =	vst.add.f32.msk $0xffff, v3  }
0xbe: {  	[tilespmem:s6+$0x14430] =	vst.add.f32.msk $0xffff, v4  }
0xbf: {  	[tilespmem:s6+$0x14440] =	vst.add.f32.msk $0xffff, v63  }
0xc0: {  	[tilespmem:s6+$0x14450] =	vst.add.f32.msk $0xffff, v5  }
0xc1: {  	s7 =	simm.s32 $0x0;
	[tilespmem:s6+$0x14460] =	vst.add.f32.msk $0xffff, v6  }
0xc2: {  	[hbm4b:s9+s7] =	stream.linear.scatter [tilespmem:s23], [sflag:$0xA], $0x4000, $0x38;
	[tilespmem:$0x1C400] =	vst v63  }
0xc3: {  	_ =	swait.ge [sflag:s22], $0x4000  }
0xc4: {  	[sflag:s22] =	ssyncset.done $0x0  }
0xc5: {  	[sflag:s22] =	ssyncadd.s32 $0xFFFFC000  }
0xc6: {  	_ =	swait.ge [sflag:s24], $0x4000  }
0xc7: {  	[sflag:s24] =	ssyncset.done $0x0  }
0xc8: {  	s7 =	simm.s32 $0x380;
	[sflag:s24] =	ssyncadd.s32 $0xFFFFC000  }
0xc9: {  	[tilespmem:s21], [sflag:$0x4] =	stream.indirect.gather [hbm4b:s1+s17], $0x80, s7, s17, $0xb8;
	[tilespmem:$0x1C400] =	vst v63  }
0xca: {  	s6 =	simm.s32 $0x0;
	s7 =	simm.s32 $0x200  }
.LBB2_10:
0xcb: {  	p0 =	sne.s32 s7, $0xFE00;
	v0 =	vld [tilespmem:s6+$0x470]  }
0xcc: {  	v1 =	vld [tilespmem:s6+$0x400]  }
0xcd: {  	v2 =	vld [tilespmem:s6+$0x410]  }
0xce: {  	v3 =	vld [tilespmem:s6+$0x420]  }
0xcf: {  	v4 =	vld [tilespmem:s6+$0x430]  }
0xd0: {  	[tilespmem:s6+$0x18470] =	vst.add.f32.msk $0xffff, v0  }
0xd1: {  	v0 =	vld [tilespmem:s6+$0x440]  }
0xd2: {  	v5 =	vld [tilespmem:s6+$0x450]  }
0xd3: {  	v6 =	vld [tilespmem:s6+$0x460]  }
0xd4: {  	[tilespmem:s6+$0x18400] =	vst.add.f32.msk $0xffff, v1  }
0xd5: {  	[tilespmem:s6+$0x18410] =	vst.add.f32.msk $0xffff, v2  }
.Ltmp4:
0xd6: {  	[tilespmem:s6+$0x18420] =	vst.add.f32.msk $0xffff, v3;
	(pc) =	sbr.rel @p0 .LBB2_10-.Ltmp4, $4  }
0xd7: {  	[tilespmem:s6+$0x18430] =	vst.add.f32.msk $0xffff, v4  }
0xd8: {  	[tilespmem:s6+$0x18440] =	vst.add.f32.msk $0xffff, v0  }
0xd9: {  	[tilespmem:s6+$0x18450] =	vst.add.f32.msk $0xffff, v5  }
0xda: {  	[tilespmem:s6+$0x18460] =	vst.add.f32.msk $0xffff, v6;
	s6 =	sshra.s32 s7, $0x2;
	s7 =	sadd.s32 $0x200, s7  }
0xdb: {  	v0 =	vld [tilespmem:s6+$0x470]  }
0xdc: {  	v1 =	vld [tilespmem:s6+$0x400]  }
0xdd: {  	v2 =	vld [tilespmem:s6+$0x410]  }
0xde: {  	v3 =	vld [tilespmem:s6+$0x420]  }
0xdf: {  	v4 =	vld [tilespmem:s6+$0x430]  }
0xe0: {  	v63 =	vld [tilespmem:s6+$0x440]  }
0xe1: {  	v5 =	vld [tilespmem:s6+$0x450]  }
0xe2: {  	v6 =	vld [tilespmem:s6+$0x460]  }
0xe3: {  	[tilespmem:s6+$0x18470] =	vst.add.f32.msk $0xffff, v0  }
0xe4: {  	[tilespmem:s6+$0x18400] =	vst.add.f32.msk $0xffff, v1  }
0xe5: {  	[tilespmem:s6+$0x18410] =	vst.add.f32.msk $0xffff, v2  }
0xe6: {  	[tilespmem:s6+$0x18420] =	vst.add.f32.msk $0xffff, v3  }
0xe7: {  	[tilespmem:s6+$0x18430] =	vst.add.f32.msk $0xffff, v4  }
0xe8: {  	[tilespmem:s6+$0x18440] =	vst.add.f32.msk $0xffff, v63  }
0xe9: {  	[tilespmem:s6+$0x18450] =	vst.add.f32.msk $0xffff, v5  }
0xea: {  	s7 =	simm.s32 $0x0;
	[tilespmem:s6+$0x18460] =	vst.add.f32.msk $0xffff, v6  }
0xeb: {  	[hbm4b:s10+s7] =	stream.linear.scatter [tilespmem:s25], [sflag:$0xB], $0x4000, $0x38;
	[tilespmem:$0x1C400] =	vst v63  }
0xec: {  	_ =	swait.ge [sflag:s28], $0x4000  }
0xed: {  	[sflag:s28] =	ssyncset.done $0x0  }
0xee: {  	s6 =	simm.s32 $0x0;
	s7 =	simm.s32 $0x200;
	[sflag:s28] =	ssyncadd.s32 $0xFFFFC000  }
.LBB2_12:
0xef: {  	p0 =	sne.s32 s7, $0xFE00;
	v0 =	vld [tilespmem:s6+$0x4470]  }
0xf0: {  	v1 =	vld [tilespmem:s6+$0x4400]  }
0xf1: {  	v2 =	vld [tilespmem:s6+$0x4410]  }
0xf2: {  	v3 =	vld [tilespmem:s6+$0x4420]  }
0xf3: {  	v4 =	vld [tilespmem:s6+$0x4430]  }
0xf4: {  	[tilespmem:s6+$0x8470] =	vst.add.f32.msk $0xffff, v0  }
0xf5: {  	v0 =	vld [tilespmem:s6+$0x4440]  }
0xf6: {  	v5 =	vld [tilespmem:s6+$0x4450]  }
0xf7: {  	v6 =	vld [tilespmem:s6+$0x4460]  }
0xf8: {  	[tilespmem:s6+$0x8400] =	vst.add.f32.msk $0xffff, v1  }
0xf9: {  	[tilespmem:s6+$0x8410] =	vst.add.f32.msk $0xffff, v2  }
.Ltmp5:
0xfa: {  	[tilespmem:s6+$0x8420] =	vst.add.f32.msk $0xffff, v3;
	(pc) =	sbr.rel @p0 .LBB2_12-.Ltmp5, $4  }
0xfb: {  	[tilespmem:s6+$0x8430] =	vst.add.f32.msk $0xffff, v4  }
0xfc: {  	[tilespmem:s6+$0x8440] =	vst.add.f32.msk $0xffff, v0  }
0xfd: {  	[tilespmem:s6+$0x8450] =	vst.add.f32.msk $0xffff, v5  }
0xfe: {  	[tilespmem:s6+$0x8460] =	vst.add.f32.msk $0xffff, v6;
	s6 =	sshra.s32 s7, $0x2;
	s7 =	sadd.s32 $0x200, s7  }
0xff: {  	v0 =	vld [tilespmem:s6+$0x4470]  }
0x100: {  	v1 =	vld [tilespmem:s6+$0x4400]  }
0x101: {  	v2 =	vld [tilespmem:s6+$0x4410]  }
0x102: {  	v3 =	vld [tilespmem:s6+$0x4420]  }
0x103: {  	v4 =	vld [tilespmem:s6+$0x4430]  }
0x104: {  	v63 =	vld [tilespmem:s6+$0x4440]  }
0x105: {  	v5 =	vld [tilespmem:s6+$0x4450]  }
0x106: {  	v6 =	vld [tilespmem:s6+$0x4460]  }
0x107: {  	[tilespmem:s6+$0x8470] =	vst.add.f32.msk $0xffff, v0  }
0x108: {  	[tilespmem:s6+$0x8400] =	vst.add.f32.msk $0xffff, v1  }
0x109: {  	[tilespmem:s6+$0x8410] =	vst.add.f32.msk $0xffff, v2  }
0x10a: {  	[tilespmem:s6+$0x8420] =	vst.add.f32.msk $0xffff, v3  }
0x10b: {  	[tilespmem:s6+$0x8430] =	vst.add.f32.msk $0xffff, v4  }
0x10c: {  	[tilespmem:s6+$0x8440] =	vst.add.f32.msk $0xffff, v63  }
0x10d: {  	[tilespmem:s6+$0x8450] =	vst.add.f32.msk $0xffff, v5  }
0x10e: {  	s7 =	simm.s32 $0x0;
	[tilespmem:s6+$0x8460] =	vst.add.f32.msk $0xffff, v6  }
0x10f: {  	[hbm4b:s11+s7] =	stream.linear.scatter [tilespmem:s18], [sflag:$0x7], $0x4000, $0x38;
	[tilespmem:$0x1C400] =	vst v63  }
0x110: {  	_ =	swait.ge [sflag:s29], $0x4000  }
0x111: {  	[sflag:s29] =	ssyncset.done $0x0  }
0x112: {  	s6 =	simm.s32 $0x0;
	s7 =	simm.s32 $0x200;
	[sflag:s29] =	ssyncadd.s32 $0xFFFFC000  }
.LBB2_14:
0x113: {  	p0 =	sne.s32 s7, $0xFE00;
	v0 =	vld [tilespmem:s6+$0x470]  }
0x114: {  	v1 =	vld [tilespmem:s6+$0x400]  }
0x115: {  	v2 =	vld [tilespmem:s6+$0x410]  }
0x116: {  	v3 =	vld [tilespmem:s6+$0x420]  }
0x117: {  	v4 =	vld [tilespmem:s6+$0x430]  }
0x118: {  	[tilespmem:s6+$0xC470] =	vst.add.f32.msk $0xffff, v0  }
0x119: {  	v0 =	vld [tilespmem:s6+$0x440]  }
0x11a: {  	v5 =	vld [tilespmem:s6+$0x450]  }
0x11b: {  	v6 =	vld [tilespmem:s6+$0x460]  }
0x11c: {  	[tilespmem:s6+$0xC400] =	vst.add.f32.msk $0xffff, v1  }
0x11d: {  	[tilespmem:s6+$0xC410] =	vst.add.f32.msk $0xffff, v2  }
.Ltmp6:
0x11e: {  	[tilespmem:s6+$0xC420] =	vst.add.f32.msk $0xffff, v3;
	(pc) =	sbr.rel @p0 .LBB2_14-.Ltmp6, $4  }
0x11f: {  	[tilespmem:s6+$0xC430] =	vst.add.f32.msk $0xffff, v4  }
0x120: {  	[tilespmem:s6+$0xC440] =	vst.add.f32.msk $0xffff, v0  }
0x121: {  	[tilespmem:s6+$0xC450] =	vst.add.f32.msk $0xffff, v5  }
0x122: {  	[tilespmem:s6+$0xC460] =	vst.add.f32.msk $0xffff, v6;
	s6 =	sshra.s32 s7, $0x2;
	s7 =	sadd.s32 $0x200, s7  }
0x123: {  	v0 =	vld [tilespmem:s6+$0x470]  }
0x124: {  	v1 =	vld [tilespmem:s6+$0x400]  }
0x125: {  	v2 =	vld [tilespmem:s6+$0x410]  }
0x126: {  	v3 =	vld [tilespmem:s6+$0x420]  }
0x127: {  	v4 =	vld [tilespmem:s6+$0x430]  }
0x128: {  	v63 =	vld [tilespmem:s6+$0x440]  }
0x129: {  	v5 =	vld [tilespmem:s6+$0x450]  }
0x12a: {  	v6 =	vld [tilespmem:s6+$0x460]  }
0x12b: {  	[tilespmem:s6+$0xC470] =	vst.add.f32.msk $0xffff, v0  }
0x12c: {  	[tilespmem:s6+$0xC400] =	vst.add.f32.msk $0xffff, v1  }
0x12d: {  	[tilespmem:s6+$0xC410] =	vst.add.f32.msk $0xffff, v2  }
0x12e: {  	[tilespmem:s6+$0xC420] =	vst.add.f32.msk $0xffff, v3  }
0x12f: {  	[tilespmem:s6+$0xC430] =	vst.add.f32.msk $0xffff, v4  }
0x130: {  	[tilespmem:s6+$0xC440] =	vst.add.f32.msk $0xffff, v63  }
0x131: {  	[tilespmem:s6+$0xC450] =	vst.add.f32.msk $0xffff, v5  }
0x132: {  	s7 =	simm.s32 $0x0;
	[tilespmem:s6+$0xC460] =	vst.add.f32.msk $0xffff, v6  }
0x133: {  	[hbm4b:s12+s7] =	stream.linear.scatter [tilespmem:s20], [sflag:$0x8], $0x4000, $0x38;
	[tilespmem:$0x1C400] =	vst v63  }
0x134: {  	_ =	swait.ge [sflag:s30], $0x4000  }
0x135: {  	[sflag:s30] =	ssyncset.done $0x0  }
0x136: {  	s6 =	simm.s32 $0x0;
	s7 =	simm.s32 $0x200;
	[sflag:s30] =	ssyncadd.s32 $0xFFFFC000  }
.LBB2_16:
0x137: {  	p0 =	sne.s32 s7, $0xFE00;
	v0 =	vld [tilespmem:s6+$0x4470]  }
0x138: {  	v1 =	vld [tilespmem:s6+$0x4400]  }
0x139: {  	v2 =	vld [tilespmem:s6+$0x4410]  }
0x13a: {  	v3 =	vld [tilespmem:s6+$0x4420]  }
0x13b: {  	v4 =	vld [tilespmem:s6+$0x4430]  }
0x13c: {  	[tilespmem:s6+$0x10470] =	vst.add.f32.msk $0xffff, v0  }
0x13d: {  	v0 =	vld [tilespmem:s6+$0x4440]  }
0x13e: {  	v5 =	vld [tilespmem:s6+$0x4450]  }
0x13f: {  	v6 =	vld [tilespmem:s6+$0x4460]  }
0x140: {  	[tilespmem:s6+$0x10400] =	vst.add.f32.msk $0xffff, v1  }
0x141: {  	[tilespmem:s6+$0x10410] =	vst.add.f32.msk $0xffff, v2  }
.Ltmp7:
0x142: {  	[tilespmem:s6+$0x10420] =	vst.add.f32.msk $0xffff, v3;
	(pc) =	sbr.rel @p0 .LBB2_16-.Ltmp7, $4  }
0x143: {  	[tilespmem:s6+$0x10430] =	vst.add.f32.msk $0xffff, v4  }
0x144: {  	[tilespmem:s6+$0x10440] =	vst.add.f32.msk $0xffff, v0  }
0x145: {  	[tilespmem:s6+$0x10450] =	vst.add.f32.msk $0xffff, v5  }
0x146: {  	[tilespmem:s6+$0x10460] =	vst.add.f32.msk $0xffff, v6;
	s6 =	sshra.s32 s7, $0x2;
	s7 =	sadd.s32 $0x200, s7  }
0x147: {  	v0 =	vld [tilespmem:s6+$0x4470]  }
0x148: {  	v1 =	vld [tilespmem:s6+$0x4400]  }
0x149: {  	v2 =	vld [tilespmem:s6+$0x4410]  }
0x14a: {  	v3 =	vld [tilespmem:s6+$0x4420]  }
0x14b: {  	v4 =	vld [tilespmem:s6+$0x4430]  }
0x14c: {  	v63 =	vld [tilespmem:s6+$0x4440]  }
0x14d: {  	v5 =	vld [tilespmem:s6+$0x4450]  }
0x14e: {  	v6 =	vld [tilespmem:s6+$0x4460]  }
0x14f: {  	[tilespmem:s6+$0x10470] =	vst.add.f32.msk $0xffff, v0  }
0x150: {  	[tilespmem:s6+$0x10400] =	vst.add.f32.msk $0xffff, v1  }
0x151: {  	[tilespmem:s6+$0x10410] =	vst.add.f32.msk $0xffff, v2  }
0x152: {  	[tilespmem:s6+$0x10420] =	vst.add.f32.msk $0xffff, v3  }
0x153: {  	[tilespmem:s6+$0x10430] =	vst.add.f32.msk $0xffff, v4  }
0x154: {  	[tilespmem:s6+$0x10440] =	vst.add.f32.msk $0xffff, v63  }
0x155: {  	[tilespmem:s6+$0x10450] =	vst.add.f32.msk $0xffff, v5  }
0x156: {  	[tilespmem:s6+$0x10460] =	vst.add.f32.msk $0xffff, v6  }
0x157: {  	[hbm4b:s13+s3] =	stream.linear.scatter [tilespmem:s21], [sflag:$0x9], $0x4000, $0x38;
	[tilespmem:$0x1C400] =	vst v63  }
0x158: {  	_ =	swait.ge [sflag:s19], $0x4000  }
0x159: {  	[sflag:s19] =	ssyncset.done $0x0  }
0x15a: {  	[sflag:s19] =	ssyncadd.s32 $0xFFFFC000  }
0x15b: {  	_ =	swait.ge [sflag:s0], $0x4000  }
0x15c: {  	[sflag:s0] =	ssyncset.done $0x0  }
0x15d: {  	[sflag:s0] =	ssyncadd.s32 $0xFFFFC000  }
0x15e: {  	_ =	swait.ge [sflag:s31], $0x4000  }
0x15f: {  	[sflag:s31] =	ssyncset.done $0x0  }
0x160: {  	s5 =	sadd.s32 $0x1, s5;
	[sflag:s31] =	ssyncadd.s32 $0xFFFFC000  }
0x161: {  	p0 =	sne.s32 s5, s14;
	_ =	swait.ge [sflag:s15], $0x4000  }
.Ltmp8:
0x162: {  	[sflag:s15] =	ssyncset.done $0x0;
	(pc) =	sbr.rel @p0 .LBB2_1-.Ltmp8, $4  }
0x163: {  	[sflag:s15] =	ssyncadd.s32 $0xFFFFC000  }
0x164: {  	_ =	swait.ge [sflag:s24], $0x4000  }
0x165: {  	[sflag:s24] =	ssyncset.done $0x0  }
0x166: {  	[sflag:s24] =	ssyncadd.s32 $0xFFFFC000  }
0x167: {  	_ =	sfence.sel $0x180000  }
0x168: {  	[bflag:$0x0] =	sbarrier.arrive $0xFFFF  }
0x169: {  	_ =	strace $0x90000047  }
0x16a: {  	s0 =	stileid.u32;
	[bflag:$0x2] =	sbarrier.arrive $0xFFFF  }
0x16b: {  	p0 =	sne.s32 s0, $0x0;
	s0 =	rddreg [dreg:$0x4]  }
0x16c: {  	s0 =	sadd.s32 @!p0 $0x100000, s0  }
0x16d: {  	[sflag:s0] =	ssyncadd.tile.s32 @!p0 $0x1;
	_ =	shalt  }
.Lfunc_end2:
_tile_overlayer_lowered:
.L_overlay_start_2:
0x16e: {  	(tag) =	ssettag $0x2  }
0x16f: {  	s0 =	rddreg [dreg:$0x0];
	s2 =	stileid.u32  }
0x170: {  	s1 =	rddreg [dreg:$0x1];
	p0 =	sne.s32 s2, $0x0  }
0x171: {  	s3 =	rddreg [dreg:$0x2];
	[bflag:$0x3] =	sbarrier.arrive $0xFFFF;
	s2 =	simm.s32 @!p0 $0x1C0C  }
0x172: {  	[timem:s3], [sflag:s2] =	dma.local @!p0 [hbm:s0], s1  }
0x173: {  	s0 =	simm.s32 @!p0 $0xC  }
0x174: {  	_ =	swait.ge @!p0 [sflag:s0], s1  }
0x175: {  	s1 =	ssub.s32 @!p0 $0x0, s1;
	[sflag:s0] =	ssyncset.done @!p0 $0x0  }
0x176: {  	[sflag:s0] =	ssyncadd.s32 @!p0 s1  }
0x177: {  	[bflag:$0x3] =	sbarrier.arrive $0xFFFF  }
0x178: {  	_ =	shalt  }

</sc_bundles>
